<compile_context>
chip_gen: v7x
topology: tpu7x:2x2x1
jax: 0.10.2.dev20260603
libtpu: 0.0.44.dev20260713+nightly
codegen_flags: <defaults>
</compile_context>

<pallas_src>
import functools

import jax
import jax.numpy as jnp
from jax import lax
from jax.experimental import pallas as pl
from jax.experimental.pallas import tpu as pltpu
from jax.experimental.pallas import tpu_sc as plsc

_VOCAB = 1_000_000
_D = 64
_NC, _NS, _L = 2, 16, 16
_NW = _NC * _NS
_BT = 16384 * 50
_BPW = _BT // _NW
_C = 400
_NCHUNK = _BPW // _C
_NBUF = 4
_NGRP = _NCHUNK // _NBUF

_mesh = plsc.VectorSubcoreMesh(core_axis_name="c", subcore_axis_name="s")


@functools.partial(
    pl.kernel,
    mesh=_mesh,
    out_type=jax.ShapeDtypeStruct((_BT, _D), jnp.float32),
    compiler_params=pltpu.CompilerParams(use_tc_tiling_on_sc=False),
    scratch_types=[
        pltpu.VMEM((_BPW,), jnp.int32),
        pltpu.VMEM((_C, _D), jnp.float32),
        pltpu.VMEM((_C, _D), jnp.float32),
        pltpu.VMEM((_C, _D), jnp.float32),
        pltpu.VMEM((_C, _D), jnp.float32),
        pltpu.SemaphoreType.DMA,
        pltpu.SemaphoreType.DMA,
        pltpu.SemaphoreType.DMA,
        pltpu.SemaphoreType.DMA,
        pltpu.SemaphoreType.DMA,
        pltpu.SemaphoreType.DMA,
        pltpu.SemaphoreType.DMA,
        pltpu.SemaphoreType.DMA,
    ],
)
def _emb_lookup(token_hbm, table_hbm, out_hbm, idx_v,
                b0, b1, b2, b3, g0, g1, g2, g3, s0, s1, s2, s3):
    bufs = (b0, b1, b2, b3)
    gsem = (g0, g1, g2, g3)
    ssem = (s0, s1, s2, s3)
    wid = lax.axis_index("s") * _NC + lax.axis_index("c")
    base = wid * _BPW
    _HEAD = (_NBUF - 1) * _C
    pltpu.async_copy(token_hbm.at[pl.ds(base, _HEAD)],
                     idx_v.at[pl.ds(0, _HEAD)], g3)
    pltpu.async_copy(token_hbm.at[pl.ds(base + _HEAD, _BPW - _HEAD)],
                     idx_v.at[pl.ds(_HEAD, _BPW - _HEAD)], s3)
    pltpu.make_async_copy(token_hbm.at[pl.ds(base, _HEAD)],
                          idx_v.at[pl.ds(0, _HEAD)], g3).wait()

    def clamp_span(lo, hi):
        def cb(j, _):
            s = j * _L
            v = idx_v[pl.ds(s, _L)]
            idx_v[pl.ds(s, _L)] = jnp.minimum(jnp.maximum(v, 0), 0)
            return 0
        lax.fori_loop(lo // _L, hi // _L, cb, 0)

    def fire_gather(c, buf, sem):
        pltpu.async_copy(table_hbm.at[idx_v.at[pl.ds(c * _C, _C)]], buf, sem)

    def wait_gather(buf, sem):
        pltpu.make_async_copy(table_hbm.at[idx_v.at[pl.ds(0, _C)]], buf, sem).wait()

    def fire_store(c, buf, sem):
        pltpu.async_copy(buf, out_hbm.at[pl.ds(base + c * _C, _C)], sem)

    def wait_store(buf, sem):
        pltpu.make_async_copy(buf, out_hbm.at[pl.ds(base, _C)], sem).wait()

    clamp_span(0, _HEAD)
    for b in range(_NBUF - 1):
        fire_gather(b, bufs[b], gsem[b])
    pltpu.make_async_copy(token_hbm.at[pl.ds(base + _HEAD, _BPW - _HEAD)],
                          idx_v.at[pl.ds(_HEAD, _BPW - _HEAD)], s3).wait()
    clamp_span(_HEAD, _BPW)

    def body(g, _):
        i0 = g * _NBUF
        for b in range(_NBUF):
            i = i0 + b
            b2 = (b + _NBUF - 1) % _NBUF
            ahead = i + _NBUF - 1

            @pl.when(jnp.logical_and(ahead < _NCHUNK, i >= 1))
            def _drain_prev_store():
                wait_store(bufs[b2], ssem[b2])

            @pl.when(ahead < _NCHUNK)
            def _launch_ahead():
                fire_gather(ahead, bufs[b2], gsem[b2])

            wait_gather(bufs[b], gsem[b])
            fire_store(i, bufs[b], ssem[b])
        return 0

    lax.fori_loop(0, _NGRP, body, 0)
    for b in range(_NBUF):
        wait_store(bufs[b], ssem[b])


def kernel(token, table):
    out = _emb_lookup(token.reshape(-1), table)
    return out.reshape(token.shape + (_D,))

# --- scband reference (transcript-rebuilt; emitter-appended) ---
"""Pipeline reference for scband-token-embedding-wrapper-72284299591745 (READ-ONLY COPY).

The authoritative reference and input builder live on the scoring server;
editing this copy changes nothing except your own understanding.
"""

import jax, jax.numpy as jnp
import numpy as np

VOCAB_SIZE = 1000000
EMBED_DIM = 64
BATCH = 16384
SEQ_LEN = 50

def setup_inputs(seed: int = 0) -> dict:
    key = jax.random.key(seed)
    k1, k2 = jax.random.split(key)
    token = jax.random.randint(k1, (BATCH, SEQ_LEN), 0, VOCAB_SIZE, dtype=jnp.int64 if jax.config.jax_enable_x64 else jnp.int32)
    table = jax.random.normal(k2, (VOCAB_SIZE, EMBED_DIM), dtype=jnp.float32) * 0.02
    return {"token": token, "table": table}

def reference(token, table):
    # torch.clamp(token, min=0, max=vocab_size - 1)
    token = jnp.clip(token, 0, VOCAB_SIZE - 1)
    # nn.Embedding lookup -> gather rows
    return jnp.take(table, token, axis=0)

if __name__ == "__main__":
    import jax
    _d = setup_inputs()
    print(jax.jit(kernel)(*tuple(_d.values())))

</pallas_src>

<mosaic_0001>
#map = affine_map<(d0, d1) -> (0)>
#map1 = affine_map<(d0, d1) -> (0, 0)>
module attributes {stable_mosaic.version = 14 : i64} {
  func.func @_emb_lookup(%arg0: i32, %arg1: i32, %arg2: memref<819200xi32, #tpu.memory_space<hbm>>, %arg3: memref<1000000x64xf32, #tpu.memory_space<hbm>>, %arg4: memref<819200x64xf32, #tpu.memory_space<hbm>>, %arg5: memref<25600xi32, #tpu.memory_space<vmem>>, %arg6: memref<400x64xf32, #tpu.memory_space<vmem>>, %arg7: memref<400x64xf32, #tpu.memory_space<vmem>>, %arg8: memref<400x64xf32, #tpu.memory_space<vmem>>, %arg9: memref<400x64xf32, #tpu.memory_space<vmem>>, %arg10: memref<!tpu.dma_semaphore, #tpu.memory_space<semaphore_mem>>, %arg11: memref<!tpu.dma_semaphore, #tpu.memory_space<semaphore_mem>>, %arg12: memref<!tpu.dma_semaphore, #tpu.memory_space<semaphore_mem>>, %arg13: memref<!tpu.dma_semaphore, #tpu.memory_space<semaphore_mem>>, %arg14: memref<!tpu.dma_semaphore, #tpu.memory_space<semaphore_mem>>, %arg15: memref<!tpu.dma_semaphore, #tpu.memory_space<semaphore_mem>>, %arg16: memref<!tpu.dma_semaphore, #tpu.memory_space<semaphore_mem>>, %arg17: memref<!tpu.dma_semaphore, #tpu.memory_space<semaphore_mem>>) attributes {dimension_semantics = [#tpu.dimension_semantics<core_parallel>, #tpu.dimension_semantics<subcore_parallel>], iteration_bounds = array<i64: 2, 16>, scalar_prefetch = 0 : i64, scratch_operands = 13 : i64, tpu.core_type = #tpu.core_type<sc_vector_subcore>, window_params = [{transform_indices = #map}, {transform_indices = #map1}, {transform_indices = #map1}]} {
    %mul3A = arith.constant 2 : i32
    %mul3A_0 = arith.muli %arg1, %mul3A : i32
    %add3A = arith.addi %mul3A_0, %arg0 : i32
    %mul3A_1 = arith.constant 25600 : i32
    %mul3A_2 = arith.muli %add3A, %mul3A_1 : i32
    %dma_start3A = arith.constant 0 : i32
    %dma_start3A_3 = tpu.memref_slice %arg5[%dma_start3A] : memref<25600xi32, #tpu.memory_space<vmem>> -> memref<1200xi32, #tpu.memory_space<vmem>>
    %dma_start3A_4 = tpu.memref_slice %arg2[%mul3A_2] : memref<819200xi32, #tpu.memory_space<hbm>> -> memref<1200xi32, #tpu.memory_space<hbm>>
    %dma_start3A_5 = arith.constant 0 : i32
    %dma_start3A_6 = tpu.memref_slice %arg5[%dma_start3A_5] : memref<25600xi32, #tpu.memory_space<vmem>> -> memref<1200xi32, #tpu.memory_space<vmem>>
    %dma_start3A_7 = tpu.memref_slice %arg2[%mul3A_2] : memref<819200xi32, #tpu.memory_space<hbm>> -> memref<1200xi32, #tpu.memory_space<hbm>>
    tpu.enqueue_dma source(%dma_start3A_7 : memref<1200xi32, #tpu.memory_space<hbm>>) target(%dma_start3A_6 : memref<1200xi32, #tpu.memory_space<vmem>>) target_semaphore(%arg13 : memref<!tpu.dma_semaphore, #tpu.memory_space<semaphore_mem>>)
    %add3A_8 = arith.constant 1200 : i32
    %add3A_9 = arith.addi %mul3A_2, %add3A_8 : i32
    %dma_start3A_10 = arith.constant 1200 : i32
    %dma_start3A_11 = tpu.memref_slice %arg5[%dma_start3A_10] : memref<25600xi32, #tpu.memory_space<vmem>> -> memref<24400xi32, #tpu.memory_space<vmem>>
    %dma_start3A_12 = tpu.memref_slice %arg2[%add3A_9] : memref<819200xi32, #tpu.memory_space<hbm>> -> memref<24400xi32, #tpu.memory_space<hbm>>
    %dma_start3A_13 = arith.constant 1200 : i32
    %dma_start3A_14 = tpu.memref_slice %arg5[%dma_start3A_13] : memref<25600xi32, #tpu.memory_space<vmem>> -> memref<24400xi32, #tpu.memory_space<vmem>>
    %dma_start3A_15 = tpu.memref_slice %arg2[%add3A_9] : memref<819200xi32, #tpu.memory_space<hbm>> -> memref<24400xi32, #tpu.memory_space<hbm>>
    tpu.enqueue_dma source(%dma_start3A_15 : memref<24400xi32, #tpu.memory_space<hbm>>) target(%dma_start3A_14 : memref<24400xi32, #tpu.memory_space<vmem>>) target_semaphore(%arg17 : memref<!tpu.dma_semaphore, #tpu.memory_space<semaphore_mem>>)
    %dma_wait3A = arith.constant 0 : i32
    %dma_wait3A_16 = tpu.memref_slice %arg5[%dma_wait3A] : memref<25600xi32, #tpu.memory_space<vmem>> -> memref<1200xi32, #tpu.memory_space<vmem>>
    %dma_wait3A_17 = tpu.memref_slice %arg2[%mul3A_2] : memref<819200xi32, #tpu.memory_space<hbm>> -> memref<1200xi32, #tpu.memory_space<hbm>>
    %dma_wait3A_18 = arith.constant 0 : i32
    %dma_wait3A_19 = tpu.memref_slice %arg5[%dma_wait3A_18] : memref<25600xi32, #tpu.memory_space<vmem>> -> memref<1200xi32, #tpu.memory_space<vmem>>
    %dma_wait3A_20 = tpu.memref_slice %arg2[%mul3A_2] : memref<819200xi32, #tpu.memory_space<hbm>> -> memref<1200xi32, #tpu.memory_space<hbm>>
    tpu.wait_dma2 semaphore(%arg13 : memref<!tpu.dma_semaphore, #tpu.memory_space<semaphore_mem>>) src(%dma_wait3A_20 : memref<1200xi32, #tpu.memory_space<hbm>>) dst(%dma_wait3A_19 : memref<1200xi32, #tpu.memory_space<vmem>>)
    %scan3A = arith.constant 0 : i32
    %scan3A_21 = arith.constant 0 : i32
    %scan3A_22 = arith.constant 75 : i32
    %scan3A_23 = arith.addi %scan3A_21, %scan3A_22 : i32
    %scan3A_24 = arith.constant 1 : i32
    %scan3A_25 = scf.for %scan3A_80 = %scan3A_21 to %scan3A_23 step %scan3A_24 iter_args(%scan3A_81 = %scan3A) -> (i32)  : i32 {
      %mul3A_82 = arith.constant 16 : i32
      %mul3A_83 = arith.muli %scan3A_80, %mul3A_82 : i32
      %get3A = arith.index_cast %mul3A_83 : i32 to index
      %get3A_84 = tpu.vector_load %arg5[%get3A] {strides = array<i32>} : memref<25600xi32, #tpu.memory_space<vmem>>, vector<16xi32>,
      %get3A_85 = vector.shape_cast %get3A_84 : vector<16xi32> to vector<16xi32>
      %max3A = arith.constant 0 : i32
      %max3A_86 = vector.broadcast %max3A : i32 to vector<16xi32>
      %max3A_87 = arith.maxsi %get3A_85, %max3A_86 : vector<16xi32>
      %min3A = arith.constant 0 : i32
      %min3A_88 = vector.broadcast %min3A : i32 to vector<16xi32>
      %min3A_89 = arith.minsi %max3A_87, %min3A_88 : vector<16xi32>
      %swap3A = arith.index_cast %mul3A_83 : i32 to index
      %swap3A_90 = tpu.vector_load %arg5[%swap3A] {strides = array<i32>} : memref<25600xi32, #tpu.memory_space<vmem>>, vector<16xi32>,
      %swap3A_91 = vector.shape_cast %swap3A_90 : vector<16xi32> to vector<16xi32>
      %swap3A_92 = vector.shape_cast %min3A_89 : vector<16xi32> to vector<16xi32>
      tpu.vector_store %arg5[%swap3A], %swap3A_92 {strides = array<i32>} : memref<25600xi32, #tpu.memory_space<vmem>>, vector<16xi32>,
      %scan3A_93 = arith.constant 0 : i32
      scf.yield %scan3A_93 : i32
    }
    %scan3A_26 = arith.constant 75 : i32
    %dma_start3A_27 = arith.constant 0 : i32
    %dma_start3A_28 = tpu.memref_slice %arg5[%dma_start3A_27] : memref<25600xi32, #tpu.memory_space<vmem>> -> memref<400xi32, #tpu.memory_space<vmem>>
    %dma_start3A_29 = arith.constant 0 : i32
    %dma_start3A_30 = arith.constant 0 : i32
    %dma_start3A_31 = tpu.memref_slice %arg3[%dma_start3A_29, %dma_start3A_30] : memref<1000000x64xf32, #tpu.memory_space<hbm>> -> memref<1000000x64xf32, #tpu.memory_space<hbm>>
    tpu.enqueue_indirect_dma source(%dma_start3A_31 : memref<1000000x64xf32, #tpu.memory_space<hbm>>) target(%arg6 : memref<400x64xf32, #tpu.memory_space<vmem>>) offsets(%dma_start3A_28 : memref<400xi32, #tpu.memory_space<vmem>>) semaphore(%arg10 : memref<!tpu.dma_semaphore, #tpu.memory_space<semaphore_mem>>)
    %dma_start3A_32 = arith.constant 400 : i32
    %dma_start3A_33 = tpu.memref_slice %arg5[%dma_start3A_32] : memref<25600xi32, #tpu.memory_space<vmem>> -> memref<400xi32, #tpu.memory_space<vmem>>
    %dma_start3A_34 = arith.constant 0 : i32
    %dma_start3A_35 = arith.constant 0 : i32
    %dma_start3A_36 = tpu.memref_slice %arg3[%dma_start3A_34, %dma_start3A_35] : memref<1000000x64xf32, #tpu.memory_space<hbm>> -> memref<1000000x64xf32, #tpu.memory_space<hbm>>
    tpu.enqueue_indirect_dma source(%dma_start3A_36 : memref<1000000x64xf32, #tpu.memory_space<hbm>>) target(%arg7 : memref<400x64xf32, #tpu.memory_space<vmem>>) offsets(%dma_start3A_33 : memref<400xi32, #tpu.memory_space<vmem>>) semaphore(%arg11 : memref<!tpu.dma_semaphore, #tpu.memory_space<semaphore_mem>>)
    %dma_start3A_37 = arith.constant 800 : i32
    %dma_start3A_38 = tpu.memref_slice %arg5[%dma_start3A_37] : memref<25600xi32, #tpu.memory_space<vmem>> -> memref<400xi32, #tpu.memory_space<vmem>>
    %dma_start3A_39 = arith.constant 0 : i32
    %dma_start3A_40 = arith.constant 0 : i32
    %dma_start3A_41 = tpu.memref_slice %arg3[%dma_start3A_39, %dma_start3A_40] : memref<1000000x64xf32, #tpu.memory_space<hbm>> -> memref<1000000x64xf32, #tpu.memory_space<hbm>>
    tpu.enqueue_indirect_dma source(%dma_start3A_41 : memref<1000000x64xf32, #tpu.memory_space<hbm>>) target(%arg8 : memref<400x64xf32, #tpu.memory_space<vmem>>) offsets(%dma_start3A_38 : memref<400xi32, #tpu.memory_space<vmem>>) semaphore(%arg12 : memref<!tpu.dma_semaphore, #tpu.memory_space<semaphore_mem>>)
    %add3A_42 = arith.constant 1200 : i32
    %add3A_43 = arith.addi %mul3A_2, %add3A_42 : i32
    %dma_wait3A_44 = arith.constant 1200 : i32
    %dma_wait3A_45 = tpu.memref_slice %arg5[%dma_wait3A_44] : memref<25600xi32, #tpu.memory_space<vmem>> -> memref<24400xi32, #tpu.memory_space<vmem>>
    %dma_wait3A_46 = tpu.memref_slice %arg2[%add3A_43] : memref<819200xi32, #tpu.memory_space<hbm>> -> memref<24400xi32, #tpu.memory_space<hbm>>
    %dma_wait3A_47 = arith.constant 1200 : i32
    %dma_wait3A_48 = tpu.memref_slice %arg5[%dma_wait3A_47] : memref<25600xi32, #tpu.memory_space<vmem>> -> memref<24400xi32, #tpu.memory_space<vmem>>
    %dma_wait3A_49 = tpu.memref_slice %arg2[%add3A_43] : memref<819200xi32, #tpu.memory_space<hbm>> -> memref<24400xi32, #tpu.memory_space<hbm>>
    tpu.wait_dma2 semaphore(%arg17 : memref<!tpu.dma_semaphore, #tpu.memory_space<semaphore_mem>>) src(%dma_wait3A_49 : memref<24400xi32, #tpu.memory_space<hbm>>) dst(%dma_wait3A_48 : memref<24400xi32, #tpu.memory_space<vmem>>)
    %scan3A_50 = arith.constant 0 : i32
    %scan3A_51 = arith.constant 75 : i32
    %scan3A_52 = arith.constant 1525 : i32
    %scan3A_53 = arith.addi %scan3A_51, %scan3A_52 : i32
    %scan3A_54 = arith.constant 1 : i32
    %scan3A_55 = scf.for %scan3A_80 = %scan3A_51 to %scan3A_53 step %scan3A_54 iter_args(%scan3A_81 = %scan3A_50) -> (i32)  : i32 {
      %mul3A_82 = arith.constant 16 : i32
      %mul3A_83 = arith.muli %scan3A_80, %mul3A_82 : i32
      %get3A = arith.index_cast %mul3A_83 : i32 to index
      %get3A_84 = tpu.vector_load %arg5[%get3A] {strides = array<i32>} : memref<25600xi32, #tpu.memory_space<vmem>>, vector<16xi32>,
      %get3A_85 = vector.shape_cast %get3A_84 : vector<16xi32> to vector<16xi32>
      %max3A = arith.constant 0 : i32
      %max3A_86 = vector.broadcast %max3A : i32 to vector<16xi32>
      %max3A_87 = arith.maxsi %get3A_85, %max3A_86 : vector<16xi32>
      %min3A = arith.constant 0 : i32
      %min3A_88 = vector.broadcast %min3A : i32 to vector<16xi32>
      %min3A_89 = arith.minsi %max3A_87, %min3A_88 : vector<16xi32>
      %swap3A = arith.index_cast %mul3A_83 : i32 to index
      %swap3A_90 = tpu.vector_load %arg5[%swap3A] {strides = array<i32>} : memref<25600xi32, #tpu.memory_space<vmem>>, vector<16xi32>,
      %swap3A_91 = vector.shape_cast %swap3A_90 : vector<16xi32> to vector<16xi32>
      %swap3A_92 = vector.shape_cast %min3A_89 : vector<16xi32> to vector<16xi32>
      tpu.vector_store %arg5[%swap3A], %swap3A_92 {strides = array<i32>} : memref<25600xi32, #tpu.memory_space<vmem>>, vector<16xi32>,
      %scan3A_93 = arith.constant 0 : i32
      scf.yield %scan3A_93 : i32
    }
    %scan3A_56 = arith.constant 1525 : i32
    %scan3A_57 = arith.constant 0 : i32
    %scan3A_58 = arith.constant 0 : i32
    %scan3A_59 = arith.constant 16 : i32
    %scan3A_60 = arith.addi %scan3A_58, %scan3A_59 : i32
    %scan3A_61 = arith.constant 1 : i32
    %scan3A_62 = scf.for %scan3A_80 = %scan3A_58 to %scan3A_60 step %scan3A_61 iter_args(%scan3A_81 = %scan3A_57) -> (i32)  : i32 {
      %mul3A_82 = arith.constant 4 : i32
      %mul3A_83 = arith.muli %scan3A_80, %mul3A_82 : i32
      %add3A_84 = arith.constant 0 : i32
      %add3A_85 = arith.addi %mul3A_83, %add3A_84 : i32
      %add3A_86 = arith.constant 4 : i32
      %add3A_87 = arith.addi %add3A_85, %add3A_86 : i32
      %sub3A = arith.constant 1 : i32
      %sub3A_88 = arith.subi %add3A_87, %sub3A : i32
      %lt3A = arith.constant 64 : i32
      %lt3A_89 = arith.cmpi slt, %sub3A_88, %lt3A : i32
      %ge3A = arith.constant 1 : i32
      %ge3A_90 = arith.cmpi sge, %add3A_85, %ge3A : i32
      %and3A = arith.andi %lt3A_89, %ge3A_90 : i1
      %convert_element_type3A = arith.extui %and3A : i1 to i32
      %cond3A = arith.constant 0 : i32
      %cond3A_91 = arith.cmpi ne, %convert_element_type3A, %cond3A : i32
      scf.if %cond3A_91 {
        %dma_wait3A_203 = arith.constant 0 : i32
        %dma_wait3A_204 = tpu.memref_slice %arg4[%mul3A_2, %dma_wait3A_203] : memref<819200x64xf32, #tpu.memory_space<hbm>> -> memref<400x64xf32, #tpu.memory_space<hbm>>
        %dma_wait3A_205 = arith.constant 0 : i32
        %dma_wait3A_206 = tpu.memref_slice %arg4[%mul3A_2, %dma_wait3A_205] : memref<819200x64xf32, #tpu.memory_space<hbm>> -> memref<400x64xf32, #tpu.memory_space<hbm>>
        tpu.wait_dma2 semaphore(%arg17 : memref<!tpu.dma_semaphore, #tpu.memory_space<semaphore_mem>>) src(%arg9 : memref<400x64xf32, #tpu.memory_space<vmem>>) dst(%dma_wait3A_206 : memref<400x64xf32, #tpu.memory_space<hbm>>)
      } else {
      }
      %lt3A_92 = arith.constant 64 : i32
      %lt3A_93 = arith.cmpi slt, %sub3A_88, %lt3A_92 : i32
      %convert_element_type3A_94 = arith.extui %lt3A_93 : i1 to i32
      %cond3A_95 = arith.constant 0 : i32
      %cond3A_96 = arith.cmpi ne, %convert_element_type3A_94, %cond3A_95 : i32
      scf.if %cond3A_96 {
        %mul3A_203 = arith.constant 400 : i32
        %mul3A_204 = arith.muli %sub3A_88, %mul3A_203 : i32
        %dma_start3A_205 = tpu.memref_slice %arg5[%mul3A_204] : memref<25600xi32, #tpu.memory_space<vmem>> -> memref<400xi32, #tpu.memory_space<vmem>>
        %dma_start3A_206 = arith.constant 0 : i32
        %dma_start3A_207 = arith.constant 0 : i32
        %dma_start3A_208 = tpu.memref_slice %arg3[%dma_start3A_206, %dma_start3A_207] : memref<1000000x64xf32, #tpu.memory_space<hbm>> -> memref<1000000x64xf32, #tpu.memory_space<hbm>>
        tpu.enqueue_indirect_dma source(%dma_start3A_208 : memref<1000000x64xf32, #tpu.memory_space<hbm>>) target(%arg9 : memref<400x64xf32, #tpu.memory_space<vmem>>) offsets(%dma_start3A_205 : memref<400xi32, #tpu.memory_space<vmem>>) semaphore(%arg13 : memref<!tpu.dma_semaphore, #tpu.memory_space<semaphore_mem>>)
      } else {
      }
      %dma_wait3A_97 = arith.constant 0 : i32
      %dma_wait3A_98 = tpu.memref_slice %arg5[%dma_wait3A_97] : memref<25600xi32, #tpu.memory_space<vmem>> -> memref<400xi32, #tpu.memory_space<vmem>>
      %dma_wait3A_99 = arith.constant 0 : i32
      %dma_wait3A_100 = arith.constant 0 : i32
      %dma_wait3A_101 = tpu.memref_slice %arg3[%dma_wait3A_99, %dma_wait3A_100] : memref<1000000x64xf32, #tpu.memory_space<hbm>> -> memref<1000000x64xf32, #tpu.memory_space<hbm>>
      tpu.wait_indirect_dma semaphore(%arg10 : memref<!tpu.dma_semaphore, #tpu.memory_space<semaphore_mem>>) src(%dma_wait3A_101 : memref<1000000x64xf32, #tpu.memory_space<hbm>>) dst(%arg6 : memref<400x64xf32, #tpu.memory_space<vmem>>)
      %mul3A_102 = arith.constant 400 : i32
      %mul3A_103 = arith.muli %add3A_85, %mul3A_102 : i32
      %add3A_104 = arith.addi %mul3A_2, %mul3A_103 : i32
      %dma_start3A_105 = arith.constant 0 : i32
      %dma_start3A_106 = tpu.memref_slice %arg4[%add3A_104, %dma_start3A_105] : memref<819200x64xf32, #tpu.memory_space<hbm>> -> memref<400x64xf32, #tpu.memory_space<hbm>>
      %dma_start3A_107 = arith.constant 0 : i32
      %dma_start3A_108 = tpu.memref_slice %arg4[%add3A_104, %dma_start3A_107] : memref<819200x64xf32, #tpu.memory_space<hbm>> -> memref<400x64xf32, #tpu.memory_space<hbm>>
      tpu.enqueue_dma source(%arg6 : memref<400x64xf32, #tpu.memory_space<vmem>>) target(%dma_start3A_108 : memref<400x64xf32, #tpu.memory_space<hbm>>) target_semaphore(%arg14 : memref<!tpu.dma_semaphore, #tpu.memory_space<semaphore_mem>>)
      %add3A_109 = arith.constant 1 : i32
      %add3A_110 = arith.addi %mul3A_83, %add3A_109 : i32
      %add3A_111 = arith.constant 4 : i32
      %add3A_112 = arith.addi %add3A_110, %add3A_111 : i32
      %sub3A_113 = arith.constant 1 : i32
      %sub3A_114 = arith.subi %add3A_112, %sub3A_113 : i32
      %lt3A_115 = arith.constant 64 : i32
      %lt3A_116 = arith.cmpi slt, %sub3A_114, %lt3A_115 : i32
      %ge3A_117 = arith.constant 1 : i32
      %ge3A_118 = arith.cmpi sge, %add3A_110, %ge3A_117 : i32
      %and3A_119 = arith.andi %lt3A_116, %ge3A_118 : i1
      %convert_element_type3A_120 = arith.extui %and3A_119 : i1 to i32
      %cond3A_121 = arith.constant 0 : i32
      %cond3A_122 = arith.cmpi ne, %convert_element_type3A_120, %cond3A_121 : i32
      scf.if %cond3A_122 {
        %dma_wait3A_203 = arith.constant 0 : i32
        %dma_wait3A_204 = tpu.memref_slice %arg4[%mul3A_2, %dma_wait3A_203] : memref<819200x64xf32, #tpu.memory_space<hbm>> -> memref<400x64xf32, #tpu.memory_space<hbm>>
        %dma_wait3A_205 = arith.constant 0 : i32
        %dma_wait3A_206 = tpu.memref_slice %arg4[%mul3A_2, %dma_wait3A_205] : memref<819200x64xf32, #tpu.memory_space<hbm>> -> memref<400x64xf32, #tpu.memory_space<hbm>>
        tpu.wait_dma2 semaphore(%arg14 : memref<!tpu.dma_semaphore, #tpu.memory_space<semaphore_mem>>) src(%arg6 : memref<400x64xf32, #tpu.memory_space<vmem>>) dst(%dma_wait3A_206 : memref<400x64xf32, #tpu.memory_space<hbm>>)
      } else {
      }
      %lt3A_123 = arith.constant 64 : i32
      %lt3A_124 = arith.cmpi slt, %sub3A_114, %lt3A_123 : i32
      %convert_element_type3A_125 = arith.extui %lt3A_124 : i1 to i32
      %cond3A_126 = arith.constant 0 : i32
      %cond3A_127 = arith.cmpi ne, %convert_element_type3A_125, %cond3A_126 : i32
      scf.if %cond3A_127 {
        %mul3A_203 = arith.constant 400 : i32
        %mul3A_204 = arith.muli %sub3A_114, %mul3A_203 : i32
        %dma_start3A_205 = tpu.memref_slice %arg5[%mul3A_204] : memref<25600xi32, #tpu.memory_space<vmem>> -> memref<400xi32, #tpu.memory_space<vmem>>
        %dma_start3A_206 = arith.constant 0 : i32
        %dma_start3A_207 = arith.constant 0 : i32
        %dma_start3A_208 = tpu.memref_slice %arg3[%dma_start3A_206, %dma_start3A_207] : memref<1000000x64xf32, #tpu.memory_space<hbm>> -> memref<1000000x64xf32, #tpu.memory_space<hbm>>
        tpu.enqueue_indirect_dma source(%dma_start3A_208 : memref<1000000x64xf32, #tpu.memory_space<hbm>>) target(%arg6 : memref<400x64xf32, #tpu.memory_space<vmem>>) offsets(%dma_start3A_205 : memref<400xi32, #tpu.memory_space<vmem>>) semaphore(%arg10 : memref<!tpu.dma_semaphore, #tpu.memory_space<semaphore_mem>>)
      } else {
      }
      %dma_wait3A_128 = arith.constant 0 : i32
      %dma_wait3A_129 = tpu.memref_slice %arg5[%dma_wait3A_128] : memref<25600xi32, #tpu.memory_space<vmem>> -> memref<400xi32, #tpu.memory_space<vmem>>
      %dma_wait3A_130 = arith.constant 0 : i32
      %dma_wait3A_131 = arith.constant 0 : i32
      %dma_wait3A_132 = tpu.memref_slice %arg3[%dma_wait3A_130, %dma_wait3A_131] : memref<1000000x64xf32, #tpu.memory_space<hbm>> -> memref<1000000x64xf32, #tpu.memory_space<hbm>>
      tpu.wait_indirect_dma semaphore(%arg11 : memref<!tpu.dma_semaphore, #tpu.memory_space<semaphore_mem>>) src(%dma_wait3A_132 : memref<1000000x64xf32, #tpu.memory_space<hbm>>) dst(%arg7 : memref<400x64xf32, #tpu.memory_space<vmem>>)
      %mul3A_133 = arith.constant 400 : i32
      %mul3A_134 = arith.muli %add3A_110, %mul3A_133 : i32
      %add3A_135 = arith.addi %mul3A_2, %mul3A_134 : i32
      %dma_start3A_136 = arith.constant 0 : i32
      %dma_start3A_137 = tpu.memref_slice %arg4[%add3A_135, %dma_start3A_136] : memref<819200x64xf32, #tpu.memory_space<hbm>> -> memref<400x64xf32, #tpu.memory_space<hbm>>
      %dma_start3A_138 = arith.constant 0 : i32
      %dma_start3A_139 = tpu.memref_slice %arg4[%add3A_135, %dma_start3A_138] : memref<819200x64xf32, #tpu.memory_space<hbm>> -> memref<400x64xf32, #tpu.memory_space<hbm>>
      tpu.enqueue_dma source(%arg7 : memref<400x64xf32, #tpu.memory_space<vmem>>) target(%dma_start3A_139 : memref<400x64xf32, #tpu.memory_space<hbm>>) target_semaphore(%arg15 : memref<!tpu.dma_semaphore, #tpu.memory_space<semaphore_mem>>)
      %add3A_140 = arith.constant 2 : i32
      %add3A_141 = arith.addi %mul3A_83, %add3A_140 : i32
      %add3A_142 = arith.constant 4 : i32
      %add3A_143 = arith.addi %add3A_141, %add3A_142 : i32
      %sub3A_144 = arith.constant 1 : i32
      %sub3A_145 = arith.subi %add3A_143, %sub3A_144 : i32
      %lt3A_146 = arith.constant 64 : i32
      %lt3A_147 = arith.cmpi slt, %sub3A_145, %lt3A_146 : i32
      %ge3A_148 = arith.constant 1 : i32
      %ge3A_149 = arith.cmpi sge, %add3A_141, %ge3A_148 : i32
      %and3A_150 = arith.andi %lt3A_147, %ge3A_149 : i1
      %convert_element_type3A_151 = arith.extui %and3A_150 : i1 to i32
      %cond3A_152 = arith.constant 0 : i32
      %cond3A_153 = arith.cmpi ne, %convert_element_type3A_151, %cond3A_152 : i32
      scf.if %cond3A_153 {
        %dma_wait3A_203 = arith.constant 0 : i32
        %dma_wait3A_204 = tpu.memref_slice %arg4[%mul3A_2, %dma_wait3A_203] : memref<819200x64xf32, #tpu.memory_space<hbm>> -> memref<400x64xf32, #tpu.memory_space<hbm>>
        %dma_wait3A_205 = arith.constant 0 : i32
        %dma_wait3A_206 = tpu.memref_slice %arg4[%mul3A_2, %dma_wait3A_205] : memref<819200x64xf32, #tpu.memory_space<hbm>> -> memref<400x64xf32, #tpu.memory_space<hbm>>
        tpu.wait_dma2 semaphore(%arg15 : memref<!tpu.dma_semaphore, #tpu.memory_space<semaphore_mem>>) src(%arg7 : memref<400x64xf32, #tpu.memory_space<vmem>>) dst(%dma_wait3A_206 : memref<400x64xf32, #tpu.memory_space<hbm>>)
      } else {
      }
      %lt3A_154 = arith.constant 64 : i32
      %lt3A_155 = arith.cmpi slt, %sub3A_145, %lt3A_154 : i32
      %convert_element_type3A_156 = arith.extui %lt3A_155 : i1 to i32
      %cond3A_157 = arith.constant 0 : i32
      %cond3A_158 = arith.cmpi ne, %convert_element_type3A_156, %cond3A_157 : i32
      scf.if %cond3A_158 {
        %mul3A_203 = arith.constant 400 : i32
        %mul3A_204 = arith.muli %sub3A_145, %mul3A_203 : i32
        %dma_start3A_205 = tpu.memref_slice %arg5[%mul3A_204] : memref<25600xi32, #tpu.memory_space<vmem>> -> memref<400xi32, #tpu.memory_space<vmem>>
        %dma_start3A_206 = arith.constant 0 : i32
        %dma_start3A_207 = arith.constant 0 : i32
        %dma_start3A_208 = tpu.memref_slice %arg3[%dma_start3A_206, %dma_start3A_207] : memref<1000000x64xf32, #tpu.memory_space<hbm>> -> memref<1000000x64xf32, #tpu.memory_space<hbm>>
        tpu.enqueue_indirect_dma source(%dma_start3A_208 : memref<1000000x64xf32, #tpu.memory_space<hbm>>) target(%arg7 : memref<400x64xf32, #tpu.memory_space<vmem>>) offsets(%dma_start3A_205 : memref<400xi32, #tpu.memory_space<vmem>>) semaphore(%arg11 : memref<!tpu.dma_semaphore, #tpu.memory_space<semaphore_mem>>)
      } else {
      }
      %dma_wait3A_159 = arith.constant 0 : i32
      %dma_wait3A_160 = tpu.memref_slice %arg5[%dma_wait3A_159] : memref<25600xi32, #tpu.memory_space<vmem>> -> memref<400xi32, #tpu.memory_space<vmem>>
      %dma_wait3A_161 = arith.constant 0 : i32
      %dma_wait3A_162 = arith.constant 0 : i32
      %dma_wait3A_163 = tpu.memref_slice %arg3[%dma_wait3A_161, %dma_wait3A_162] : memref<1000000x64xf32, #tpu.memory_space<hbm>> -> memref<1000000x64xf32, #tpu.memory_space<hbm>>
      tpu.wait_indirect_dma semaphore(%arg12 : memref<!tpu.dma_semaphore, #tpu.memory_space<semaphore_mem>>) src(%dma_wait3A_163 : memref<1000000x64xf32, #tpu.memory_space<hbm>>) dst(%arg8 : memref<400x64xf32, #tpu.memory_space<vmem>>)
      %mul3A_164 = arith.constant 400 : i32
      %mul3A_165 = arith.muli %add3A_141, %mul3A_164 : i32
      %add3A_166 = arith.addi %mul3A_2, %mul3A_165 : i32
      %dma_start3A_167 = arith.constant 0 : i32
      %dma_start3A_168 = tpu.memref_slice %arg4[%add3A_166, %dma_start3A_167] : memref<819200x64xf32, #tpu.memory_space<hbm>> -> memref<400x64xf32, #tpu.memory_space<hbm>>
      %dma_start3A_169 = arith.constant 0 : i32
      %dma_start3A_170 = tpu.memref_slice %arg4[%add3A_166, %dma_start3A_169] : memref<819200x64xf32, #tpu.memory_space<hbm>> -> memref<400x64xf32, #tpu.memory_space<hbm>>
      tpu.enqueue_dma source(%arg8 : memref<400x64xf32, #tpu.memory_space<vmem>>) target(%dma_start3A_170 : memref<400x64xf32, #tpu.memory_space<hbm>>) target_semaphore(%arg16 : memref<!tpu.dma_semaphore, #tpu.memory_space<semaphore_mem>>)
      %add3A_171 = arith.constant 3 : i32
      %add3A_172 = arith.addi %mul3A_83, %add3A_171 : i32
      %add3A_173 = arith.constant 4 : i32
      %add3A_174 = arith.addi %add3A_172, %add3A_173 : i32
      %sub3A_175 = arith.constant 1 : i32
      %sub3A_176 = arith.subi %add3A_174, %sub3A_175 : i32
      %lt3A_177 = arith.constant 64 : i32
      %lt3A_178 = arith.cmpi slt, %sub3A_176, %lt3A_177 : i32
      %ge3A_179 = arith.constant 1 : i32
      %ge3A_180 = arith.cmpi sge, %add3A_172, %ge3A_179 : i32
      %and3A_181 = arith.andi %lt3A_178, %ge3A_180 : i1
      %convert_element_type3A_182 = arith.extui %and3A_181 : i1 to i32
      %cond3A_183 = arith.constant 0 : i32
      %cond3A_184 = arith.cmpi ne, %convert_element_type3A_182, %cond3A_183 : i32
      scf.if %cond3A_184 {
        %dma_wait3A_203 = arith.constant 0 : i32
        %dma_wait3A_204 = tpu.memref_slice %arg4[%mul3A_2, %dma_wait3A_203] : memref<819200x64xf32, #tpu.memory_space<hbm>> -> memref<400x64xf32, #tpu.memory_space<hbm>>
        %dma_wait3A_205 = arith.constant 0 : i32
        %dma_wait3A_206 = tpu.memref_slice %arg4[%mul3A_2, %dma_wait3A_205] : memref<819200x64xf32, #tpu.memory_space<hbm>> -> memref<400x64xf32, #tpu.memory_space<hbm>>
        tpu.wait_dma2 semaphore(%arg16 : memref<!tpu.dma_semaphore, #tpu.memory_space<semaphore_mem>>) src(%arg8 : memref<400x64xf32, #tpu.memory_space<vmem>>) dst(%dma_wait3A_206 : memref<400x64xf32, #tpu.memory_space<hbm>>)
      } else {
      }
      %lt3A_185 = arith.constant 64 : i32
      %lt3A_186 = arith.cmpi slt, %sub3A_176, %lt3A_185 : i32
      %convert_element_type3A_187 = arith.extui %lt3A_186 : i1 to i32
      %cond3A_188 = arith.constant 0 : i32
      %cond3A_189 = arith.cmpi ne, %convert_element_type3A_187, %cond3A_188 : i32
      scf.if %cond3A_189 {
        %mul3A_203 = arith.constant 400 : i32
        %mul3A_204 = arith.muli %sub3A_176, %mul3A_203 : i32
        %dma_start3A_205 = tpu.memref_slice %arg5[%mul3A_204] : memref<25600xi32, #tpu.memory_space<vmem>> -> memref<400xi32, #tpu.memory_space<vmem>>
        %dma_start3A_206 = arith.constant 0 : i32
        %dma_start3A_207 = arith.constant 0 : i32
        %dma_start3A_208 = tpu.memref_slice %arg3[%dma_start3A_206, %dma_start3A_207] : memref<1000000x64xf32, #tpu.memory_space<hbm>> -> memref<1000000x64xf32, #tpu.memory_space<hbm>>
        tpu.enqueue_indirect_dma source(%dma_start3A_208 : memref<1000000x64xf32, #tpu.memory_space<hbm>>) target(%arg8 : memref<400x64xf32, #tpu.memory_space<vmem>>) offsets(%dma_start3A_205 : memref<400xi32, #tpu.memory_space<vmem>>) semaphore(%arg12 : memref<!tpu.dma_semaphore, #tpu.memory_space<semaphore_mem>>)
      } else {
      }
      %dma_wait3A_190 = arith.constant 0 : i32
      %dma_wait3A_191 = tpu.memref_slice %arg5[%dma_wait3A_190] : memref<25600xi32, #tpu.memory_space<vmem>> -> memref<400xi32, #tpu.memory_space<vmem>>
      %dma_wait3A_192 = arith.constant 0 : i32
      %dma_wait3A_193 = arith.constant 0 : i32
      %dma_wait3A_194 = tpu.memref_slice %arg3[%dma_wait3A_192, %dma_wait3A_193] : memref<1000000x64xf32, #tpu.memory_space<hbm>> -> memref<1000000x64xf32, #tpu.memory_space<hbm>>
      tpu.wait_indirect_dma semaphore(%arg13 : memref<!tpu.dma_semaphore, #tpu.memory_space<semaphore_mem>>) src(%dma_wait3A_194 : memref<1000000x64xf32, #tpu.memory_space<hbm>>) dst(%arg9 : memref<400x64xf32, #tpu.memory_space<vmem>>)
      %mul3A_195 = arith.constant 400 : i32
      %mul3A_196 = arith.muli %add3A_172, %mul3A_195 : i32
      %add3A_197 = arith.addi %mul3A_2, %mul3A_196 : i32
      %dma_start3A_198 = arith.constant 0 : i32
      %dma_start3A_199 = tpu.memref_slice %arg4[%add3A_197, %dma_start3A_198] : memref<819200x64xf32, #tpu.memory_space<hbm>> -> memref<400x64xf32, #tpu.memory_space<hbm>>
      %dma_start3A_200 = arith.constant 0 : i32
      %dma_start3A_201 = tpu.memref_slice %arg4[%add3A_197, %dma_start3A_200] : memref<819200x64xf32, #tpu.memory_space<hbm>> -> memref<400x64xf32, #tpu.memory_space<hbm>>
      tpu.enqueue_dma source(%arg9 : memref<400x64xf32, #tpu.memory_space<vmem>>) target(%dma_start3A_201 : memref<400x64xf32, #tpu.memory_space<hbm>>) target_semaphore(%arg17 : memref<!tpu.dma_semaphore, #tpu.memory_space<semaphore_mem>>)
      %scan3A_202 = arith.constant 0 : i32
      scf.yield %scan3A_202 : i32
    }
    %scan3A_63 = arith.constant 16 : i32
    %dma_wait3A_64 = arith.constant 0 : i32
    %dma_wait3A_65 = tpu.memref_slice %arg4[%mul3A_2, %dma_wait3A_64] : memref<819200x64xf32, #tpu.memory_space<hbm>> -> memref<400x64xf32, #tpu.memory_space<hbm>>
    %dma_wait3A_66 = arith.constant 0 : i32
    %dma_wait3A_67 = tpu.memref_slice %arg4[%mul3A_2, %dma_wait3A_66] : memref<819200x64xf32, #tpu.memory_space<hbm>> -> memref<400x64xf32, #tpu.memory_space<hbm>>
    tpu.wait_dma2 semaphore(%arg14 : memref<!tpu.dma_semaphore, #tpu.memory_space<semaphore_mem>>) src(%arg6 : memref<400x64xf32, #tpu.memory_space<vmem>>) dst(%dma_wait3A_67 : memref<400x64xf32, #tpu.memory_space<hbm>>)
    %dma_wait3A_68 = arith.constant 0 : i32
    %dma_wait3A_69 = tpu.memref_slice %arg4[%mul3A_2, %dma_wait3A_68] : memref<819200x64xf32, #tpu.memory_space<hbm>> -> memref<400x64xf32, #tpu.memory_space<hbm>>
    %dma_wait3A_70 = arith.constant 0 : i32
    %dma_wait3A_71 = tpu.memref_slice %arg4[%mul3A_2, %dma_wait3A_70] : memref<819200x64xf32, #tpu.memory_space<hbm>> -> memref<400x64xf32, #tpu.memory_space<hbm>>
    tpu.wait_dma2 semaphore(%arg15 : memref<!tpu.dma_semaphore, #tpu.memory_space<semaphore_mem>>) src(%arg7 : memref<400x64xf32, #tpu.memory_space<vmem>>) dst(%dma_wait3A_71 : memref<400x64xf32, #tpu.memory_space<hbm>>)
    %dma_wait3A_72 = arith.constant 0 : i32
    %dma_wait3A_73 = tpu.memref_slice %arg4[%mul3A_2, %dma_wait3A_72] : memref<819200x64xf32, #tpu.memory_space<hbm>> -> memref<400x64xf32, #tpu.memory_space<hbm>>
    %dma_wait3A_74 = arith.constant 0 : i32
    %dma_wait3A_75 = tpu.memref_slice %arg4[%mul3A_2, %dma_wait3A_74] : memref<819200x64xf32, #tpu.memory_space<hbm>> -> memref<400x64xf32, #tpu.memory_space<hbm>>
    tpu.wait_dma2 semaphore(%arg16 : memref<!tpu.dma_semaphore, #tpu.memory_space<semaphore_mem>>) src(%arg8 : memref<400x64xf32, #tpu.memory_space<vmem>>) dst(%dma_wait3A_75 : memref<400x64xf32, #tpu.memory_space<hbm>>)
    %dma_wait3A_76 = arith.constant 0 : i32
    %dma_wait3A_77 = tpu.memref_slice %arg4[%mul3A_2, %dma_wait3A_76] : memref<819200x64xf32, #tpu.memory_space<hbm>> -> memref<400x64xf32, #tpu.memory_space<hbm>>
    %dma_wait3A_78 = arith.constant 0 : i32
    %dma_wait3A_79 = tpu.memref_slice %arg4[%mul3A_2, %dma_wait3A_78] : memref<819200x64xf32, #tpu.memory_space<hbm>> -> memref<400x64xf32, #tpu.memory_space<hbm>>
    tpu.wait_dma2 semaphore(%arg17 : memref<!tpu.dma_semaphore, #tpu.memory_space<semaphore_mem>>) src(%arg9 : memref<400x64xf32, #tpu.memory_space<vmem>>) dst(%dma_wait3A_79 : memref<400x64xf32, #tpu.memory_space<hbm>>)
    return
  }
}

</mosaic_0001>

<sc_bundles>
// kernel: kernel.3.cloned.1.call-start
scs
__scs_entry_jumppad:
0x0: {  	(pc) =	sbr.rel $0x88, $3  }
0x1: {  	(tag) =	ssettag $0x0;
	lr =	simm.s32 $0x1  }
0x2: {  	[smem:$0x3F9F] =	sst lr;
	_ =	strace $0xD0000000  }
0x3: {  	_ = 	snop  }
0x4: {  	_ = 	snop  }
0x5: {  	_ = 	snop  }
0x6: {  	_ = 	snop  }
0x7: {  	_ = 	snop  }
__scs_overlays_trampoline_lowered:
0x8: {  	[smem:$0x3FAE] =	sst s0  }
0x9: {  	[smem:$0x3FAF] =	sst s1  }
0xa: {  	[smem:$0x3FB0] =	sst s2  }
0xb: {  	[smem:$0x3FB1] =	sst s3  }
0xc: {  	[smem:$0x3FB2] =	sst s4  }
0xd: {  	[smem:$0x3FB3] =	sst s5  }
0xe: {  	[smem:$0x3FB4] =	sst s6  }
0xf: {  	[smem:$0x3FB5] =	sst s7  }
0x10: {  	[smem:$0x3FB6] =	sst s8  }
0x11: {  	[smem:$0x3FB7] =	sst s9;
	s0 =	simm.s32 @!p0 $0x0  }
0x12: {  	s1 =	sld [smem:$0x3F9D];
	s0 =	simm.s32 @p0 $0x1  }
0x13: {  	[smem:$0x3FB8] =	sst s0;
	s0 =	simm.s32 @!p1 $0x0  }
0x14: {  	s2 =	sld [smem:$0x3F9C];
	s0 =	simm.s32 @p1 $0x1  }
0x15: {  	[smem:$0x3FB9] =	sst s0;
	s0 =	simm.s32 @!p2 $0x0  }
0x16: {  	s3 =	sld [smem:$0x3FDB];
	s0 =	simm.s32 @p2 $0x1  }
0x17: {  	s4 =	simm.s32 $0x1BF5;
	[smem:$0x3FBB] =	sst s0  }
0x18: {  	s0 =	sld [smem:$0x3F9E];
	_ =	swait.ge [sflag:s4], $0x0  }
0x19: {  	s7 =	sld [smem:$0x3F9F]  }
0x1a: {  	s8 =	sadd.s32 $0xFFFFE003, lr  }
0x1b: {  	s9 =	sadd.s32 $0xFFFFFEF7, lr;
	s5 =	simm.s32 $0xFFFFFFFF;
	p2 =	slt.u32 s8, $0xFFFFF086  }
0x1c: {  	p1 =	slt.u32 s9, $0xF7A;
	s5 =	simm.s32 @!p2 $0x0  }
0x1d: {  	s5 =	simm.s32 @p1 $0x1;
	p0 =	seq.s32 s7, s2  }
0x1e: {  	s7 =	smul.u32 @!p0 $0xF7A, s2;
	p2 =	seq.s32 @!p0 s5, $0x0  }
0x1f: {  	s9 =	smul.u32 $0xF7A, s1;
	s8 =	simm.s32 @!p0 $0x1BF5;
	p2 =	por !p2, p0  }
0x20: {  	[sflag:s8] =	ssyncset.s32 @!p0 $0xFFFFF086;
	s6 =	sadd.s32 @!p0 s3, s7;
	s7 =	simm.s32 @!p0 $0x108  }
0x21: {  	s3 =	sadd.s32 s3, s9;
	s6 =	sadd.s32 @!p0 $0x88, s6;
	s7 =	simm.s32 @p2 $0x1082  }
0x22: {  	[simem:s7], [sflag:s8] =	dma.local @!p0 [hbm:s6], $0xF7A  }
0x23: {  	s9 =	sor.u32 $0xD0000000, s2;
	s6 =	simm.s32 $0x108;
	_ =	swait.ge @!p0 [sflag:s8], $0x0  }
0x24: {  	s3 =	sadd.s32 $0x88, s3;
	s6 =	simm.s32 @!p1 $0x1082;
	[sflag:s4] =	ssyncset.s32 $0xFFFFF086  }
0x25: {  	[simem:s6], [sflag:s4] =	dma.local [hbm:s3], $0xF7A  }
0x26: {  	[smem:$0x3F9F] =	sst s1;
	(tag) =	ssettag s2;
	_ =	strace s9  }
0x27: {  	s1 =	sld [smem:$0x3FAF]  }
0x28: {  	s2 =	sld [smem:$0x3FB0]  }
0x29: {  	s4 =	sld [smem:$0x3FB2]  }
0x2a: {  	p0 =	seq.s32 s5, $0x0;
	s5 =	sld [smem:$0x3FB3]  }
0x2b: {  	s6 =	sld [smem:$0x3FB4]  }
0x2c: {  	s7 =	sld [smem:$0x3FB5]  }
0x2d: {  	s3 =	simm.s32 $0x108;
	s8 =	sld [smem:$0x3FB6]  }
0x2e: {  	s3 =	simm.s32 @!p0 $0x1082;
	s9 =	sld [smem:$0x3FB7]  }
0x2f: {  	lr =	sadd.s32 s0, s3;
	s0 =	sld [smem:$0x3FAE]  }
0x30: {  	s3 =	sld [smem:$0x3FB1]  }
0x31: {  	[smem:$0x3FBA] =	sst s10  }
0x32: {  	s10 =	sld [smem:$0x3FB8];
	_ =	sdelay $0x3  }
0x33: {  	p0 =	seq.s32 s10, $0x1;
	s10 =	sld [smem:$0x3FBA];
	_ =	sdelay $0x3  }
0x34: {  	[smem:$0x3FBA] =	sst s10  }
0x35: {  	s10 =	sld [smem:$0x3FB9];
	_ =	sdelay $0x3  }
0x36: {  	p1 =	seq.s32 s10, $0x1;
	s10 =	sld [smem:$0x3FBA];
	_ =	sdelay $0x3  }
0x37: {  	[smem:$0x3FBA] =	sst s10  }
0x38: {  	s10 =	sld [smem:$0x3FBB]  }
0x39: {  	_ = 	snop;
	(pc) =	sbr.ind lr, $3  }
0x3a: {  	_ = 	snop  }
0x3b: {  	_ = 	snop  }
0x3c: {  	p2 =	seq.s32 s10, $0x1;
	s10 =	sld [smem:$0x3FBA]  }
0x3d: {  	_ =	shalt  }
0x3e: {  	_ =	shalt  }
0x3f: {  	_ =	shalt  }
0x40: {  	_ =	shalt  }
0x41: {  	_ =	shalt  }
0x42: {  	_ =	shalt  }
0x43: {  	_ =	shalt  }
0x44: {  	_ =	shalt  }
0x45: {  	_ =	shalt  }
0x46: {  	_ =	shalt  }
0x47: {  	_ =	shalt  }
0x48: {  	_ =	shalt  }
0x49: {  	_ =	shalt  }
0x4a: {  	_ =	shalt  }
0x4b: {  	_ =	shalt  }
0x4c: {  	_ =	shalt  }
0x4d: {  	_ =	shalt  }
0x4e: {  	_ =	shalt  }
0x4f: {  	_ =	shalt  }
0x50: {  	_ =	shalt  }
0x51: {  	_ =	shalt  }
0x52: {  	_ =	shalt  }
0x53: {  	_ =	shalt  }
0x54: {  	_ =	shalt  }
0x55: {  	_ =	shalt  }
0x56: {  	_ =	shalt  }
0x57: {  	_ =	shalt  }
0x58: {  	_ =	shalt  }
0x59: {  	_ =	shalt  }
0x5a: {  	_ =	shalt  }
0x5b: {  	_ =	shalt  }
0x5c: {  	_ =	shalt  }
0x5d: {  	_ =	shalt  }
0x5e: {  	_ =	shalt  }
0x5f: {  	_ =	shalt  }
0x60: {  	_ =	shalt  }
0x61: {  	_ =	shalt  }
0x62: {  	_ =	shalt  }
0x63: {  	_ =	shalt  }
0x64: {  	_ =	shalt  }
0x65: {  	_ =	shalt  }
0x66: {  	_ =	shalt  }
0x67: {  	_ =	shalt  }
0x68: {  	_ =	shalt  }
0x69: {  	_ =	shalt  }
0x6a: {  	_ =	shalt  }
0x6b: {  	_ =	shalt  }
0x6c: {  	_ =	shalt  }
0x6d: {  	_ =	shalt  }
0x6e: {  	_ =	shalt  }
0x6f: {  	_ =	shalt  }
0x70: {  	_ =	shalt  }
0x71: {  	_ =	shalt  }
0x72: {  	_ =	shalt  }
0x73: {  	_ =	shalt  }
0x74: {  	_ =	shalt  }
0x75: {  	_ =	shalt  }
0x76: {  	_ =	shalt  }
0x77: {  	_ =	shalt  }
0x78: {  	_ =	shalt  }
0x79: {  	_ =	shalt  }
0x7a: {  	_ =	shalt  }
0x7b: {  	_ =	shalt  }
0x7c: {  	_ =	shalt  }
0x7d: {  	_ =	shalt  }
0x7e: {  	_ =	shalt  }
0x7f: {  	_ =	shalt  }
0x80: {  	_ =	shalt  }
0x81: {  	_ =	shalt  }
0x82: {  	_ =	shalt  }
0x83: {  	_ =	shalt  }
0x84: {  	_ =	shalt  }
0x85: {  	_ =	shalt  }
0x86: {  	_ =	shalt  }
0x87: {  	_ =	shalt  }
.Lfunc_end0:
.L_simem_size_0:
called_computation.1_lowered:
.L_overlay_start_0:
0x88: {  	s2 =	sld [smem:$0x3FD9]  }
0x89: {  	s3 =	sld [smem:$0x3FFE];
	_ =	sdelay $0x1  }
0x8a: {  	s1 =	srdreg.scid  }
0x8b: {  	s0 =	sand.u32 $0x1, s1  }
0x8c: {  	s17 =	sshll.u32 s0, $0xA;
	s2 =	sadd.s32 s3, s2  }
0x8d: {  	s2 =	sadd.s32 s2, s17  }
0x8e: {  	[smem:$0x3FC6] =	sst s2  }
0x8f: {  	_ = 	snop  }
0x90: {  	s2 =	sld [smem:$0x3FD0];
	(tm) =	ssettm $0x1  }
0x91: {  	s18 =	sld [smem:$0x3FFB];
	_ =	sdelay $0x3  }
0x92: {  	_ =	strace s18  }
0x93: {  	s3 =	sld [smem:$0x3FFC];
	_ =	sdelay $0x3  }
0x94: {  	_ =	strace s3  }
0x95: {  	s3 =	sld [smem:$0x3FFD];
	_ =	sdelay $0x3  }
0x96: {  	_ =	strace s3  }
0x97: {  	_ =	strace $0x8FFFFFFF  }
0x98: {  	s19 =	sld [smem:$0x3FDB];
	_ =	sdelay $0x1  }
0x99: {  	s4 =	simm.s32 $_scs_section_size  }
0x9a: {  	s5 =	simm.s32 $_size__tile_overlayer_lowered;
	s6 =	simm.s32 $_tile_overlayer_lowered  }
0x9b: {  	s22 =	simm.s32 $0x1BFF;
	s21 =	sshll.u32 s6, $0x1;
	s3 =	sadd.s32 s4, s19  }
0x9c: {  	s7 =	simm.s32 $0x0;
	s20 =	sshll.u32 s5, $0x1;
	s5 =	sadd.s32 s21, s3  }
0x9d: {  	[timem:s7], [sflag:s22] =	dma.local [hbm:s5], s20  }
0x9e: {  	_ =	swait.ge [sflag:s22], s20  }
0x9f: {  	s4 =	ssub.s32 $0x0, s20;
	[sflag:s22] =	ssyncset.done $0x0  }
0xa0: {  	[sflag:s22] =	ssyncadd.s32 s4;
	_ =	sdelay $0x1  }
0xa1: {  	s23 =	simm.s32 $0x1B8B  }
0xa2: {  	_ =	swait.ge [sflag:s23], $0x1  }
0xa3: {  	[sflag:s23] =	ssyncset.done $0x0  }
0xa4: {  	s25 =	simm.s32 $0x1B8E;
	s24 =	sld [smem:$0x3FFE];
	[sflag:s23] =	ssyncadd.s32 $0xFFFFFFFF  }
0xa5: {  	s26 =	simm.s32 $execute0_lowered;
	[smem:$0x3FD2] =	sst s25  }
0xa6: {  	s5 =	sshll.u32 s26, $0x1;
	_ =	strace $0x80000046;
	[dreg:$0x1] =	wrdreg $0xFFFFFFFF  }
0xa7: {  	s28 =	simm.s32 $_size_execute0_lowered;
	s3 =	sadd.s32 s3, s5;
	[dreg:$0x0] =	wrdreg $0x0  }
0xa8: {  	s5 =	sshll.u32 s28, $0x1;
	[dreg:$0x2] =	wrdreg s3  }
0xa9: {  	[dreg:$0x3] =	wrdreg s5  }
0xaa: {  	[dreg:$0x4] =	wrdreg $0xC0  }
0xab: {  	_ =	task [dreg:s7], $0x5FFFF  }
0xac: {  	[dreg:$0x1] =	wrdreg $0xFFFFFFFF  }
0xad: {  	[dreg:$0x0] =	wrdreg $0x60  }
0xae: {  	[dreg:$0x2] =	wrdreg s24  }
0xaf: {  	[dreg:$0x3] =	wrdreg s2  }
0xb0: {  	[dreg:$0x4] =	wrdreg $0x9  }
0xb1: {  	_ =	task.clear_ibuf [dreg:s7], $0x5FFFF;
	_ =	strace $0x90000046  }
0xb2: {  	s29 =	simm.s32 $0x9;
	_ =	strace $0x80000048  }
0xb3: {  	_ =	swait.ge [sflag:s29], $0x1  }
0xb4: {  	[sflag:s29] =	ssyncadd.s32 $0xFFFFFFFF  }
0xb5: {  	_ =	strace $0x90000048  }
0xb6: {  	_ =	sfence  }
0xb7: {  	s30 =	sld [smem:$0x0];
	_ =	sdelay $0x2  }
0xb8: {  	s31 =	sshll.u32 s1, $0xD;
	s1 =	sshrl.u32 s1, $0x2  }
0xb9: {  	s3 =	sand.u32 $0x4000, s31;
	s1 =	sadd.s32 s1, s30  }
0xba: {  	s0 =	sor.u32 s3, s0;
	s1 =	sshll.u32 s1, $0x11  }
0xbb: {  	s0 =	sor.u32 s1, s0  }
0xbc: {  	s0 =	sadd.s32 $0x8F2B, s0  }
0xbd: {  	[sflag:s0] =	ssyncadd.remote.s32 $0x1  }
0xbe: {  	_ =	sfence.sel $0xFFFF  }
0xbf: {  	[dreg:$0x0] =	wrdreg $0xFFFFFFFF;
	(pc) =	sbr.abs _section_cstart, $3  }
0xc0: {  	[dreg:$0x1] =	wrdreg $0xFFFFFFFF  }
0xc1: {  	_ =	task.clear_ibuf [dreg:s7], $0x2FFFF;
	_ =	strace $0x9FFFFFFF  }
0xc2: {  	(tm) =	ssettm $0x7FFFFFFF  }
0xc3: {  	_ =	shalt  }
tec
execute0_lowered:
.L_overlay_start_1:
0x0: {  	(tag) =	ssettag $0x1  }
0x1: {  	s0 =	rddreg [dreg:$0x0];
	s1 =	srdreg.scid  }
0x2: {  	s8 =	stileid.u32;
	s9 =	rddreg [dreg:$0x1];
	s2 =	simm.s32 $0x0  }
0x3: {  	s12 =	simm.s32 $0x4;
	s13 =	simm.s32 $0x190;
	s14 =	simm.s32 $0x6400  }
0x4: {  	s15 =	simm.s32 $0xC800;
	s17 =	simm.s32 $0x12C00;
	s18 =	simm.s32 $0x8  }
0x5: {  	s19 =	simm.s32 $0x19000;
	s20 =	simm.s32 $0x1;
	s21 =	simm.s32 $0x2  }
0x6: {  	s1 =	sand.u32 $0x1, s1;
	s3 =	sshll.u32 s8, $0x1;
	s5 =	smul.u32 $0xC800, s8  }
0x7: {  	s22 =	simm.s32 $0x3;
	s3 =	sor.u32 s1, s3;
	s6 =	smul.u32 $0x6400, s1  }
0x8: {  	s25 =	simm.s32 $0x7;
	[smem:$0x7FF] =	sst s2;
	s3 =	smul.u32 $0x6400, s3  }
0x9: {  	s10 =	smul.u32 $0x64000, s8;
	_ =	strace $0x80000047;
	s4 =	ssub.s32 $0x2, s1  }
0xa: {  	s1 =	smul.u32 $0x32000, s1;
	s6 =	sadd.s32 s6, s5;
	s3 =	sshrl.u32 s3, $0x3  }
0xb: {  	s26 =	sshrl.u32 s4, $0x1;
	s30 =	sshll.u32 s6, $0x3;
	s7 =	sadd.s32 s3, s0  }
0xc: {  	s3 =	sadd.s32 $0xF42E00, s0;
	s0 =	ssub.s32 s4, s26;
	s31 =	sadd.s32 s9, s30  }
0xd: {  	s9 =	sadd.s32 s10, s9;
	s26 =	simm.s32 $0x0;
	s28 =	sadd.s32 $0xA00, s7  }
0xe: {  	s29 =	sadd.s32 $0xA96, s7;
	s0 =	smax.u32 s0, $0x1;
	[dreg:$0x3] =	wrdreg s28  }
0xf: {  	s7 =	sadd.s32 $0x1900, s31;
	s8 =	sadd.s32 $0xC80, s31;
	[dreg:$0x4] =	wrdreg s29  }
0x10: {  	v0 =	vimm.s32 $0x0;
	s9 =	sadd.s32 s1, s9;
	s11 =	sadd.s32 $0x2580, s31;
	[dreg:$0x5] =	wrdreg s0  }
.LBB2_1:
0x11: {  	s0 =	rddreg [dreg:$0x3]  }
0x12: {  	[tilespmem:s2], [sflag:$0x4] =	stream.linear.gather [hbm4b:s0+s2], $0x4B0, $0x38;
	[tilespmem:$0x1F400] =	vst v63  }
0x13: {  	s31 =	rddreg [dreg:$0x4];
	s1 =	simm.s32 $0x4B0  }
0x14: {  	[tilespmem:s1], [sflag:$0x8] =	stream.linear.gather [hbm4b:s31+s2], $0x5F50, $0x38;
	[tilespmem:$0x1F400] =	vst v63  }
0x15: {  	_ =	swait.ge [sflag:s12], $0x4B0  }
0x16: {  	[sflag:s12] =	ssyncset.done $0x0  }
0x17: {  	s0 =	simm.s32 $0x40;
	s1 =	simm.s32 $0x0;
	[sflag:s12] =	ssyncadd.s32 $0xFFFFFB50  }
.LBB2_2:
0x18: {  	p0 =	sne.s32 s0, $0x1280;
	[tilespmem:s1+$0x0] =	vst v0;
	s1 =	smov.u32 s0;
	s0 =	sadd.s32 $0x40, s0  }
.Ltmp0:
0x19: {  	(pc) =	sbr.rel @p0 .LBB2_2-.Ltmp0, $2  }
0x1a: {  	_ =	sdelay $0x2  }
0x1b: {  	s1 =	sshra.s32 s1, $0x2  }
0x1c: {  	[tilespmem:s1+$0x0] =	vst v0  }
0x1d: {  	[tilespmem:s14], [sflag:$0x1] =	stream.indirect.gather [hbm4b:s3+s13], $0x40, s2, s13, $0xb8;
	[tilespmem:$0x1F400] =	vst v63  }
0x1e: {  	_ = 	snop  }
0x1f: {  	[tilespmem:s15], [sflag:$0x2] =	stream.indirect.gather [hbm4b:s3+s13], $0x40, s13, s13, $0xb8;
	[tilespmem:$0x1F400] =	vst v63  }
0x20: {  	s0 =	simm.s32 $0x320  }
0x21: {  	[tilespmem:s17], [sflag:$0x3] =	stream.indirect.gather [hbm4b:s3+s13], $0x40, s0, s13, $0xb8;
	[tilespmem:$0x1F400] =	vst v63  }
0x22: {  	_ =	swait.ge [sflag:s18], $0x5F50  }
0x23: {  	[sflag:s18] =	ssyncset.done $0x0  }
0x24: {  	s0 =	simm.s32 $0x12C0;
	[sflag:s18] =	ssyncadd.s32 $0xFFFFA0B0  }
.LBB2_4:
0x25: {  	p0 =	sne.s32 s0, $0x18FC0  }
.Ltmp1:
0x26: {  	_ = 	snop;
	(pc) =	sbr.rel @p0 .LBB2_4-.Ltmp1, $3  }
0x27: {  	_ =	sdelay $0x1  }
0x28: {  	s1 =	sshra.s32 s0, $0x2  }
0x29: {  	s0 =	sadd.s32 $0x40, s0;
	[tilespmem:s1+$0x0] =	vst v0  }
0x2a: {  	p0 =	por $0x1, $0x1  }
0x2b: {  	s0 =	simm.s32 @!p0 $0x8  }
0x2c: {  	_ =	swait.ge @!p0 [sflag:s0], $0x6400  }
0x2d: {  	[sflag:s0] =	ssyncset.done @!p0 $0x0  }
0x2e: {  	s1 =	simm.s32 $0x4B0;
	[sflag:s0] =	ssyncadd.s32 @!p0 $0xFFFF9C00  }
0x2f: {  	[tilespmem:s19], [sflag:$0x4] =	stream.indirect.gather [hbm4b:s3+s13], $0x40, s1, s13, $0xb8;
	[tilespmem:$0x1F400] =	vst v63  }
0x30: {  	_ =	swait.ge [sflag:s20], $0x6400  }
0x31: {  	p0 =	por $0x0, $0x0;
	[sflag:s20] =	ssyncset.done $0x0  }
0x32: {  	s0 =	simm.s32 @!p0 $0x5;
	[sflag:s20] =	ssyncadd.s32 $0xFFFF9C00  }
0x33: {  	[hbm4b:s9+s2] =	stream.linear.scatter [tilespmem:s14], [sflag:$0x5], $0x6400, $0x38;
	[tilespmem:$0x1F400] =	vst v63  }
0x34: {  	_ =	swait.ge @!p0 [sflag:s0], $0x6400  }
0x35: {  	s1 =	simm.s32 @!p0 $0x640;
	[sflag:s0] =	ssyncset.done @!p0 $0x0  }
0x36: {  	s10 =	simm.s32 @!p0 $0x190;
	s28 =	simm.s32 @!p0 $0x6400;
	[sflag:s0] =	ssyncadd.s32 @!p0 $0xFFFF9C00  }
0x37: {  	[tilespmem:s28], [sflag:$0x1] =	stream.indirect.gather @!p0 [hbm4b:s3+s10], $0x40, s1, s10, $0xb8;
	[tilespmem:$0x1F400] =	vst v63  }
0x38: {  	_ =	swait.ge [sflag:s21], $0x6400  }
0x39: {  	[sflag:s21] =	ssyncset.done $0x0  }
0x3a: {  	s0 =	simm.s32 @!p0 $0x6;
	[sflag:s21] =	ssyncadd.s32 $0xFFFF9C00  }
0x3b: {  	[hbm4b:s8+s2] =	stream.linear.scatter [tilespmem:s15], [sflag:$0x6], $0x6400, $0x38;
	[tilespmem:$0x1F400] =	vst v63  }
0x3c: {  	_ =	swait.ge @!p0 [sflag:s0], $0x6400  }
0x3d: {  	[sflag:s0] =	ssyncset.done @!p0 $0x0  }
0x3e: {  	s1 =	simm.s32 @!p0 $0x7D0;
	s28 =	simm.s32 @!p0 $0xC800;
	[sflag:s0] =	ssyncadd.s32 @!p0 $0xFFFF9C00  }
0x3f: {  	[tilespmem:s28], [sflag:$0x2] =	stream.indirect.gather @!p0 [hbm4b:s3+s10], $0x40, s1, s10, $0xb8;
	[tilespmem:$0x1F400] =	vst v63  }
0x40: {  	_ =	swait.ge [sflag:s22], $0x6400  }
0x41: {  	[sflag:s22] =	ssyncset.done $0x0  }
0x42: {  	s28 =	simm.s32 @!p0 $0x7;
	[sflag:s22] =	ssyncadd.s32 $0xFFFF9C00  }
0x43: {  	[hbm4b:s7+s2] =	stream.linear.scatter [tilespmem:s17], [sflag:$0x7], $0x6400, $0x38;
	[tilespmem:$0x1F400] =	vst v63  }
0x44: {  	s31 =	sadd.s32 $0x3200, s9;
	_ =	swait.ge @!p0 [sflag:s28], $0x6400  }
0x45: {  	p1 =	por $0x0, $0x0;
	s29 =	simm.s32 @!p0 $0x960;
	[sflag:s28] =	ssyncset.done @!p0 $0x0  }
0x46: {  	s30 =	simm.s32 @!p0 $0x12C00;
	s0 =	simm.s32 $0x3200;
	[sflag:s28] =	ssyncadd.s32 @!p0 $0xFFFF9C00  }
0x47: {  	[tilespmem:s30], [sflag:$0x3] =	stream.indirect.gather @!p0 [hbm4b:s3+s10], $0x40, s29, s10, $0xb8;
	[tilespmem:$0x1F400] =	vst v63  }
0x48: {  	s1 =	simm.s32 $0x1900;
	s28 =	sadd.s32 $0x3200, s11;
	s30 =	sadd.s32 $0x3200, s8  }
0x49: {  	s29 =	sadd.s32 $0x3200, s7;
	s10 =	smov.u32 s11;
	_ =	swait.ge [sflag:s12], $0x6400  }
.LBB2_6:
0x4a: {  	s16 =	simm.s32 @!p1 $0x8  }
0x4b: {  	[sflag:s12] =	ssyncset.done $0x0;
	s4 =	smov.u32 s0;
	s0 =	sadd.s32 $0x1900, s0  }
0x4c: {  	p0 =	sne.s32 s0, $0x19000;
	[sflag:s12] =	ssyncadd.s32 $0xFFFF9C00  }
0x4d: {  	[hbm4b:s10+s2] =	stream.linear.scatter [tilespmem:s19], [sflag:$0x8], $0x6400, $0x38;
	[tilespmem:$0x1F400] =	vst v63  }
0x4e: {  	s5 =	sshra.s32 s1, $0x2;
	s10 =	smov.u32 s28;
	_ =	swait.ge @!p1 [sflag:s16], $0x6400  }
0x4f: {  	s5 =	sadd.s32 $0x4B0, s5;
	[sflag:s16] =	ssyncset.done @!p1 $0x0  }
0x50: {  	[sflag:s16] =	ssyncadd.s32 @!p1 $0xFFFF9C00  }
0x51: {  	[tilespmem:s19], [sflag:$0x4] =	stream.indirect.gather [hbm4b:s3+s13], $0x40, s5, s13, $0xb8;
	[tilespmem:$0x1F400] =	vst v63  }
0x52: {  	_ =	swait.ge [sflag:s20], $0x6400  }
0x53: {  	p1 =	seq.s32 s1, $0x17700;
	[sflag:s20] =	ssyncset.done $0x0  }
0x54: {  	s5 =	simm.s32 @!p1 $0x5;
	s1 =	sshra.s32 @!p1 s1, $0x2;
	[sflag:s20] =	ssyncadd.s32 $0xFFFF9C00  }
0x55: {  	[hbm4b:s31+s2] =	stream.linear.scatter [tilespmem:s14], [sflag:$0x5], $0x6400, $0x38;
	[tilespmem:$0x1F400] =	vst v63  }
0x56: {  	s16 =	sadd.s32 @!p1 $0x640, s1;
	s6 =	sadd.s32 @!p1 $0x7D0, s1;
	_ =	swait.ge @!p1 [sflag:s5], $0x6400  }
0x57: {  	s23 =	simm.s32 @!p1 $0x190;
	s24 =	simm.s32 @!p1 $0x6400;
	[sflag:s5] =	ssyncset.done @!p1 $0x0  }
0x58: {  	[sflag:s5] =	ssyncadd.s32 @!p1 $0xFFFF9C00;
	s5 =	sadd.s32 @!p1 $0x960, s1;
	s1 =	smov.u32 s4  }
0x59: {  	[tilespmem:s24], [sflag:$0x1] =	stream.indirect.gather @!p1 [hbm4b:s3+s23], $0x40, s16, s23, $0xb8;
	[tilespmem:$0x1F400] =	vst v63  }
0x5a: {  	_ =	swait.ge [sflag:s21], $0x6400  }
0x5b: {  	[sflag:s21] =	ssyncset.done $0x0  }
0x5c: {  	s4 =	simm.s32 @!p1 $0x6;
	[sflag:s21] =	ssyncadd.s32 $0xFFFF9C00  }
0x5d: {  	[hbm4b:s30+s2] =	stream.linear.scatter [tilespmem:s15], [sflag:$0x6], $0x6400, $0x38;
	[tilespmem:$0x1F400] =	vst v63  }
0x5e: {  	_ =	swait.ge @!p1 [sflag:s4], $0x6400  }
0x5f: {  	s16 =	simm.s32 @!p1 $0xC800;
	[sflag:s4] =	ssyncset.done @!p1 $0x0  }
0x60: {  	[sflag:s4] =	ssyncadd.s32 @!p1 $0xFFFF9C00  }
0x61: {  	[tilespmem:s16], [sflag:$0x2] =	stream.indirect.gather @!p1 [hbm4b:s3+s23], $0x40, s6, s23, $0xb8;
	[tilespmem:$0x1F400] =	vst v63  }
0x62: {  	_ =	swait.ge [sflag:s22], $0x6400  }
0x63: {  	[sflag:s22] =	ssyncset.done $0x0  }
0x64: {  	s4 =	simm.s32 @!p1 $0x7;
	[sflag:s22] =	ssyncadd.s32 $0xFFFF9C00  }
0x65: {  	[hbm4b:s29+s2] =	stream.linear.scatter [tilespmem:s17], [sflag:$0x7], $0x6400, $0x38;
	[tilespmem:$0x1F400] =	vst v63  }
.Ltmp2:
0x66: {  	_ =	swait.ge @!p1 [sflag:s4], $0x6400;
	(pc) =	sbr.rel @p0 .LBB2_6-.Ltmp2, $4  }
0x67: {  	s28 =	sadd.s32 $0x3200, s28;
	s6 =	simm.s32 @!p1 $0x12C00;
	[sflag:s4] =	ssyncset.done @!p1 $0x0  }
0x68: {  	s31 =	sadd.s32 $0x3200, s31;
	s30 =	sadd.s32 $0x3200, s30;
	[sflag:s4] =	ssyncadd.s32 @!p1 $0xFFFF9C00  }
0x69: {  	[tilespmem:s6], [sflag:$0x3] =	stream.indirect.gather @!p1 [hbm4b:s3+s23], $0x40, s5, s23, $0xb8;
	[tilespmem:$0x1F400] =	vst v63  }
0x6a: {  	s29 =	sadd.s32 $0x3200, s29;
	p1 =	seq.s32 s1, $0x0;
	_ =	swait.ge [sflag:s12], $0x6400  }
0x6b: {  	[sflag:s12] =	ssyncset.done $0x0  }
0x6c: {  	s0 =	simm.s32 @!p1 $0x8;
	[sflag:s12] =	ssyncadd.s32 $0xFFFF9C00  }
0x6d: {  	[hbm4b:s10+s2] =	stream.linear.scatter [tilespmem:s19], [sflag:$0x8], $0x6400, $0x38;
	[tilespmem:$0x1F400] =	vst v63  }
0x6e: {  	_ =	swait.ge @!p1 [sflag:s0], $0x6400  }
0x6f: {  	s4 =	sshra.s32 s1, $0x2;
	[sflag:s0] =	ssyncset.done @!p1 $0x0  }
0x70: {  	s4 =	sadd.s32 $0x4B0, s4;
	[sflag:s0] =	ssyncadd.s32 @!p1 $0xFFFF9C00  }
0x71: {  	[tilespmem:s19], [sflag:$0x4] =	stream.indirect.gather [hbm4b:s3+s13], $0x40, s4, s13, $0xb8;
	[tilespmem:$0x1F400] =	vst v63  }
0x72: {  	_ =	swait.ge [sflag:s20], $0x6400  }
0x73: {  	p0 =	seq.s32 s1, $0x17700;
	[sflag:s20] =	ssyncset.done $0x0  }
0x74: {  	s0 =	simm.s32 @!p0 $0x5;
	[sflag:s20] =	ssyncadd.s32 $0xFFFF9C00  }
0x75: {  	[hbm4b:s31+s2] =	stream.linear.scatter [tilespmem:s14], [sflag:$0x5], $0x6400, $0x38;
	[tilespmem:$0x1F400] =	vst v63  }
0x76: {  	_ =	swait.ge @!p0 [sflag:s0], $0x6400  }
0x77: {  	s1 =	sshra.s32 @!p0 s1, $0x2;
	s5 =	simm.s32 @!p0 $0x190;
	[sflag:s0] =	ssyncset.done @!p0 $0x0  }
0x78: {  	s6 =	simm.s32 @!p0 $0x6400;
	s4 =	sadd.s32 @!p0 $0x640, s1;
	[sflag:s0] =	ssyncadd.s32 @!p0 $0xFFFF9C00  }
0x79: {  	[tilespmem:s6], [sflag:$0x1] =	stream.indirect.gather @!p0 [hbm4b:s3+s5], $0x40, s4, s5, $0xb8;
	[tilespmem:$0x1F400] =	vst v63  }
0x7a: {  	_ =	swait.ge [sflag:s21], $0x6400  }
0x7b: {  	[sflag:s21] =	ssyncset.done $0x0  }
0x7c: {  	s0 =	simm.s32 @!p0 $0x6;
	[sflag:s21] =	ssyncadd.s32 $0xFFFF9C00  }
0x7d: {  	[hbm4b:s30+s2] =	stream.linear.scatter [tilespmem:s15], [sflag:$0x6], $0x6400, $0x38;
	[tilespmem:$0x1F400] =	vst v63  }
0x7e: {  	_ =	swait.ge @!p0 [sflag:s0], $0x6400  }
0x7f: {  	[sflag:s0] =	ssyncset.done @!p0 $0x0  }
0x80: {  	s4 =	sadd.s32 @!p0 $0x7D0, s1;
	s6 =	simm.s32 @!p0 $0xC800;
	[sflag:s0] =	ssyncadd.s32 @!p0 $0xFFFF9C00  }
0x81: {  	[tilespmem:s6], [sflag:$0x2] =	stream.indirect.gather @!p0 [hbm4b:s3+s5], $0x40, s4, s5, $0xb8;
	[tilespmem:$0x1F400] =	vst v63  }
0x82: {  	_ =	swait.ge [sflag:s22], $0x6400  }
0x83: {  	[sflag:s22] =	ssyncset.done $0x0  }
0x84: {  	s0 =	simm.s32 @!p0 $0x7;
	[sflag:s22] =	ssyncadd.s32 $0xFFFF9C00  }
0x85: {  	[hbm4b:s29+s2] =	stream.linear.scatter [tilespmem:s17], [sflag:$0x7], $0x6400, $0x38;
	[tilespmem:$0x1F400] =	vst v63  }
0x86: {  	_ =	swait.ge @!p0 [sflag:s0], $0x6400  }
0x87: {  	[sflag:s0] =	ssyncset.done @!p0 $0x0  }
0x88: {  	s1 =	sadd.s32 @!p0 $0x960, s1;
	s4 =	simm.s32 @!p0 $0x12C00;
	[sflag:s0] =	ssyncadd.s32 @!p0 $0xFFFF9C00  }
0x89: {  	[tilespmem:s4], [sflag:$0x3] =	stream.indirect.gather @!p0 [hbm4b:s3+s5], $0x40, s1, s5, $0xb8;
	[tilespmem:$0x1F400] =	vst v63  }
0x8a: {  	_ =	swait.ge [sflag:s12], $0x6400  }
0x8b: {  	[sflag:s12] =	ssyncset.done $0x0  }
0x8c: {  	s29 =	simm.s32 $0x5;
	[sflag:s12] =	ssyncadd.s32 $0xFFFF9C00  }
0x8d: {  	[hbm4b:s28+s2] =	stream.linear.scatter [tilespmem:s19], [sflag:$0x8], $0x6400, $0x38;
	[tilespmem:$0x1F400] =	vst v63  }
0x8e: {  	_ =	swait.ge [sflag:s29], $0x6400  }
0x8f: {  	[sflag:s29] =	ssyncset.done $0x0  }
0x90: {  	s30 =	simm.s32 $0x6;
	[sflag:s29] =	ssyncadd.s32 $0xFFFF9C00  }
0x91: {  	_ =	swait.ge [sflag:s30], $0x6400  }
0x92: {  	[sflag:s30] =	ssyncset.done $0x0  }
0x93: {  	[sflag:s30] =	ssyncadd.s32 $0xFFFF9C00  }
0x94: {  	_ =	swait.ge [sflag:s25], $0x6400  }
0x95: {  	[sflag:s25] =	ssyncset.done $0x0  }
0x96: {  	[sflag:s25] =	ssyncadd.s32 $0xFFFF9C00  }
0x97: {  	_ =	swait.ge [sflag:s18], $0x6400  }
0x98: {  	s26 =	sadd.s32 $0x1, s26;
	s31 =	rddreg [dreg:$0x5]  }
0x99: {  	p0 =	sne.s32 s26, s31  }
.Ltmp3:
0x9a: {  	_ = 	snop;
	(pc) =	sbr.rel @p0 .LBB2_1-.Ltmp3, $3  }
0x9b: {  	_ =	sdelay $0x1  }
0x9c: {  	[sflag:s18] =	ssyncset.done $0x0  }
0x9d: {  	[sflag:s18] =	ssyncadd.s32 $0xFFFF9C00  }
0x9e: {  	_ =	sfence.sel $0x180000  }
0x9f: {  	[bflag:$0x0] =	sbarrier.arrive $0xFFFF  }
0xa0: {  	_ =	strace $0x90000047  }
0xa1: {  	s0 =	stileid.u32;
	[bflag:$0x2] =	sbarrier.arrive $0xFFFF  }
0xa2: {  	p0 =	sne.s32 s0, $0x0;
	s0 =	rddreg [dreg:$0x2]  }
0xa3: {  	s0 =	sadd.s32 @!p0 $0x100000, s0  }
0xa4: {  	[sflag:s0] =	ssyncadd.tile.s32 @!p0 $0x1;
	_ =	shalt  }
.Lfunc_end2:
_tile_overlayer_lowered:
.L_overlay_start_2:
0xa5: {  	(tag) =	ssettag $0x2  }
0xa6: {  	s0 =	rddreg [dreg:$0x0];
	s2 =	stileid.u32  }
0xa7: {  	s1 =	rddreg [dreg:$0x1];
	p0 =	sne.s32 s2, $0x0  }
0xa8: {  	s3 =	rddreg [dreg:$0x2];
	[bflag:$0x3] =	sbarrier.arrive $0xFFFF;
	s2 =	simm.s32 @!p0 $0x1C09  }
0xa9: {  	[timem:s3], [sflag:s2] =	dma.local @!p0 [hbm:s0], s1  }
0xaa: {  	s0 =	simm.s32 @!p0 $0x9  }
0xab: {  	_ =	swait.ge @!p0 [sflag:s0], s1  }
0xac: {  	s1 =	ssub.s32 @!p0 $0x0, s1;
	[sflag:s0] =	ssyncset.done @!p0 $0x0  }
0xad: {  	[sflag:s0] =	ssyncadd.s32 @!p0 s1  }
0xae: {  	[bflag:$0x3] =	sbarrier.arrive $0xFFFF  }
0xaf: {  	_ =	shalt  }

// kernel: sparse-core-data-format-call.cloned.1.call-start
scs
called_computation_lowered:
.L_overlay_start_0:
0x0: {  	s2 =	sld [smem:$0x3FD9]  }
0x1: {  	s3 =	sld [smem:$0x3FFE];
	_ =	sdelay $0x1  }
0x2: {  	s1 =	srdreg.scid  }
0x3: {  	s0 =	sand.u32 $0x1, s1  }
0x4: {  	s18 =	sshll.u32 s0, $0xA;
	s2 =	sadd.s32 s3, s2  }
0x5: {  	s2 =	sadd.s32 s2, s18  }
0x6: {  	[smem:$0x3FC6] =	sst s2  }
0x7: {  	_ = 	snop  }
0x8: {  	s2 =	sld [smem:$0x3FD0];
	(tm) =	ssettm $0x1  }
0x9: {  	s19 =	sld [smem:$0x3FFB];
	_ =	sdelay $0x3  }
0xa: {  	_ =	strace s19  }
0xb: {  	s3 =	sld [smem:$0x3FFC];
	_ =	sdelay $0x3  }
0xc: {  	_ =	strace s3  }
0xd: {  	s3 =	sld [smem:$0x3FFD];
	_ =	sdelay $0x3  }
0xe: {  	_ =	strace s3  }
0xf: {  	_ =	strace $0x8FFFFFFF  }
0x10: {  	s20 =	sld [smem:$0x3FDB];
	_ =	sdelay $0x1  }
0x11: {  	s4 =	simm.s32 $_scs_section_size  }
0x12: {  	s5 =	simm.s32 $_size__tile_overlayer_lowered;
	s6 =	simm.s32 $_tile_overlayer_lowered  }
0x13: {  	s23 =	simm.s32 $0x1BFF;
	s22 =	sshll.u32 s6, $0x1;
	s3 =	sadd.s32 s4, s20  }
0x14: {  	s7 =	simm.s32 $0x0;
	s21 =	sshll.u32 s5, $0x1;
	s5 =	sadd.s32 s22, s3  }
0x15: {  	[timem:s7], [sflag:s23] =	dma.local [hbm:s5], s21  }
0x16: {  	_ =	swait.ge [sflag:s23], s21  }
0x17: {  	s4 =	ssub.s32 $0x0, s21;
	[sflag:s23] =	ssyncset.done $0x0  }
0x18: {  	[sflag:s23] =	ssyncadd.s32 s4;
	_ =	sdelay $0x1  }
0x19: {  	s24 =	simm.s32 $0x1B8B  }
0x1a: {  	_ =	swait.ge [sflag:s24], $0x1  }
0x1b: {  	[sflag:s24] =	ssyncset.done $0x0  }
0x1c: {  	s26 =	simm.s32 $0x1B8E;
	s25 =	sld [smem:$0x3FFE];
	[sflag:s24] =	ssyncadd.s32 $0xFFFFFFFF  }
0x1d: {  	s27 =	simm.s32 $execute0_lowered;
	[smem:$0x3FD2] =	sst s26  }
0x1e: {  	s5 =	sshll.u32 s27, $0x1;
	_ =	strace $0x80000049;
	[dreg:$0x1] =	wrdreg $0xFFFFFFFF  }
0x1f: {  	s28 =	simm.s32 $_size_execute0_lowered;
	s3 =	sadd.s32 s3, s5;
	[dreg:$0x0] =	wrdreg $0x0  }
0x20: {  	s5 =	sshll.u32 s28, $0x1;
	[dreg:$0x2] =	wrdreg s3  }
0x21: {  	[dreg:$0x3] =	wrdreg s5  }
0x22: {  	[dreg:$0x4] =	wrdreg $0xC0  }
0x23: {  	_ =	task [dreg:s7], $0x5FFFF  }
0x24: {  	[dreg:$0x1] =	wrdreg $0xFFFFFFFF  }
0x25: {  	[dreg:$0x0] =	wrdreg $0x60  }
0x26: {  	[dreg:$0x2] =	wrdreg s25  }
0x27: {  	[dreg:$0x3] =	wrdreg s2  }
0x28: {  	[dreg:$0x4] =	wrdreg $0x9  }
0x29: {  	_ =	task.clear_ibuf [dreg:s7], $0x5FFFF;
	_ =	strace $0x90000049  }
0x2a: {  	s29 =	simm.s32 $0x9;
	_ =	strace $0x8000004B  }
0x2b: {  	_ =	swait.ge [sflag:s29], $0x1  }
0x2c: {  	[sflag:s29] =	ssyncadd.s32 $0xFFFFFFFF  }
0x2d: {  	_ =	strace $0x9000004B  }
0x2e: {  	_ =	sfence  }
0x2f: {  	s30 =	sld [smem:$0x0];
	_ =	sdelay $0x2  }
0x30: {  	s31 =	sshll.u32 s1, $0xD;
	s1 =	sshrl.u32 s1, $0x2  }
0x31: {  	s3 =	sand.u32 $0x4000, s31;
	s1 =	sadd.s32 s1, s30  }
0x32: {  	s0 =	sor.u32 s3, s0;
	s1 =	sshll.u32 s1, $0x11  }
0x33: {  	s0 =	sor.u32 s1, s0  }
0x34: {  	s0 =	sadd.s32 $0x8F2B, s0  }
0x35: {  	[sflag:s0] =	ssyncadd.remote.s32 $0x1  }
0x36: {  	_ =	sfence.sel $0xFFFF  }
0x37: {  	[dreg:$0x0] =	wrdreg $0xFFFFFFFF;
	(pc) =	sbr.abs _section_cstart, $3  }
0x38: {  	[dreg:$0x1] =	wrdreg $0xFFFFFFFF  }
0x39: {  	_ =	task.clear_ibuf [dreg:s7], $0x2FFFF;
	_ =	strace $0x9FFFFFFF  }
0x3a: {  	(tm) =	ssettm $0x7FFFFFFF  }
0x3b: {  	_ =	shalt  }
tec
execute0_lowered:
.L_overlay_start_1:
0x0: {  	(tag) =	ssettag $0x1  }
0x1: {  	s0 =	srdreg.scid  }
0x2: {  	s1 =	sshll.u32 s0, $0x4  }
0x3: {  	s0 =	stileid.u32;
	s1 =	sand.u32 $0x10, s1  }
0x4: {  	s1 =	sor.u32 s0, s1  }
0x5: {  	s6 =	rddreg [dreg:$0x0];
	s4 =	simm.s32 $0x1;
	s2 =	sshll.u32 s1, $0x7  }
0x6: {  	s7 =	simm.s32 $0x2;
	s12 =	simm.s32 $0x0;
	s1 =	ssub.s32 $0x4000, s2  }
0x7: {  	s8 =	simm.s32 $0x20000;
	s13 =	simm.s32 $0x0;
	s3 =	sand.u32 $0xF80, s1  }
0x8: {  	s9 =	simm.s32 $0x0;
	s5 =	sshrl.u32 s1, $0xC;
	p0 =	sne.s32 s3, $0x0  }
.Ltmp0:
0x9: {  	s1 =	rddreg [dreg:$0x2];
	s4 =	simm.s32 @!p0 $0x0;
	(pc) =	sbr.rel .LBB1_1-.Ltmp0, $4  }
0xa: {  	s11 =	simm.s32 $0x0;
	s3 =	rddreg [dreg:$0x1];
	s5 =	sadd.s32 s4, s5  }
0xb: {  	_ =	strace $0x8000004A;
	s4 =	simm.s32 $0x1;
	s5 =	smul.u32 $0x32, s5  }
0xc: {  	s6 =	sadd.s32 $0xA00, s6;
	s10 =	smov.u32 s2;
	[sflag:s4] =	ssyncpa.u1 $0x0  }
0xd: {  	p0 =	por $0x0, $0x0;
	[sflag:s7] =	ssyncpa.u1 $0x0;
	s7 =	sor.u32 $0x1, s5  }
.LBB1_4:
0xe: {  	s16 =	sshll.u32 s13, $0x3;
	s17 =	sand.u32 $0x78, s13  }
0xf: {  	s30 =	sand.u32 $0x1F800, s13;
	s12 =	sshll.u32 s12, $0x11;
	s16 =	sand.u32 $0x3C00, s16  }
0x10: {  	[tilespmem:s15+$0x810 ss:$0x81] =	vst.msk $0xffff, v2;
	s31 =	sand.u32 $0x7, s13;
	s16 =	sor.u32 s17, s16;
	s17 =	sadd.s32 s3, s30  }
0x11: {  	[tilespmem:s15+$0x1020 ss:$0x81] =	vst.msk $0xffff, v0;
	s13 =	sshll.u32 s31, $0x12;
	s12 =	sadd.s32 s12, s17;
	s16 =	sshrl.u32 s16, $0x3  }
0x12: {  	[tilespmem:s15+$0x0 ss:$0x81] =	vst.msk $0xffff, v1;
	s13 =	sor.u32 $0x400, s13;
	s12 =	sadd.s32 s16, s12  }
0x13: {  	[hbm4b:s12+s13] =	stream.strided.scatter [tilespmem:s14], [sflag:$0x2], $0x2000, s8, s13, $0x20;
	[tilespmem:$0x8080] =	vst v63  }
.LBB1_5:
0x14: {  	s14 =	sadd.s32 $0x1, s9  }
0x15: {  	s12 =	sadd.s32 $0x1000, s10;
	s16 =	smov.u32 s10;
	p2 =	sgt.s32 s14, $0x31  }
0x16: {  	s16 =	smov.u32 @p2 s12  }
0x17: {  	s14 =	simm.s32 @p2 $0x0;
	p2 =	sgt.s32 s16, $0x3FFF  }
0x18: {  	s16 =	smov.u32 @p2 s2;
	p2 =	sne.s32 s11, s7  }
.Ltmp1:
0x19: {  	p1 =	slt.u32 s11, $0x2;
	(pc) =	sbr.rel @!p2 .LBB1_6-.Ltmp1, $4  }
0x1a: {  	s15 =	simm.s32 @!p1 $0x2  }
0x1b: {  	s13 =	smov.u32 s10;
	p0 =	por !p0, !p0;
	_ =	swait.ge @!p1 [sflag:s15], $0x2000  }
0x1c: {  	s12 =	smov.u32 s9;
	[sflag:s15] =	ssyncset.done @!p1 $0x0;
	s9 =	smov.u32 s14  }
0x1d: {  	s11 =	sadd.s32 $0x1, s11;
	[sflag:s15] =	ssyncadd.s32 @!p1 $0xFFFFE000;
	s10 =	smov.u32 s16  }
.LBB1_1:
0x1e: {  	p1 =	sge.u32 s11, s5  }
0x1f: {  	s14 =	sand.u32 @!p1 $0x1FFFFFF, s9  }
0x20: {  	s15 =	smulhi.u32 @!p1 $0x4924925, s14;
	_ =	sdelay $0x1  }
0x21: {  	s15 =	smul.u32 @!p1 $0x38, s15  }
0x22: {  	s16 =	sxor.u32 @!p1 $0xFFFFFFFF, s11;
	s17 =	smul.u32 @!p1 $0x380, s10  }
0x23: {  	s31 =	sadd.s32 $0xFFFFFFFF, s11;
	s16 =	sshll.u32 @!p1 s16, $0xD;
	s14 =	ssub.s32 @!p1 s14, s15  }
0x24: {  	s15 =	sand.u32 @!p1 $0x2000, s16;
	s16 =	sadd.s32 @!p1 s6, s17;
	s14 =	sshll.u32 @!p1 s14, $0x4  }
0x25: {  	s17 =	simm.s32 @!p1 $0x1C00;
	s14 =	sadd.s32 @!p1 s14, s16;
	s16 =	simm.s32 @!p1 $0x40  }
0x26: {  	[tilespmem:s15], [sflag:$0x1] =	stream.strided.gather @!p1 [hbm4b:s14+s16], $0x2000, s17, s16, $0x38;
	[tilespmem:$0x8080] =	vst v63  }
0x27: {  	p1 =	sge.u32 s31, s5  }
.Ltmp2:
0x28: {  	_ = 	snop;
	(pc) =	sbr.rel @p1 .LBB1_5-.Ltmp2, $1  }
0x29: {  	_ =	sdelay $0x3  }
0x2a: {  	s14 =	simm.s32 $0x1  }
0x2b: {  	_ =	swait.ge [sflag:s4], $0x2000;
	s14 =	simm.s32 @!p0 $0x0  }
0x2c: {  	[sflag:s4] =	ssyncset.done $0x0;
	s15 =	sshll.u32 s14, $0xD  }
0x2d: {  	[sflag:s4] =	ssyncadd.s32 $0xFFFFE000;
	s18 =	sor.u32 $0x20, s15  }
0x2e: {  	s14 =	smul.u32 $0x8100, s14;
	v3 =	vld [tilespmem:s18+$0x10]  }
0x2f: {  	s30 =	sand.u32 $0x1, s11;
	v2 =	vld [tilespmem:s18+$0xFFFFFFF0]  }
0x30: {  	s15 =	smul.u32 $0x8100, s30;
	s14 =	sshrl.u32 s14, $0x2;
	v0 =	vld [tilespmem:s18+$0x0]  }
0x31: {  	v1 =	vld [tilespmem:s18+$0xFFFFFFE0];
	s16 =	sor.u32 $0x4000, s14  }
0x32: {  	s31 =	sshrl.u32 s15, $0x2;
	s15 =	sadd.s32 $0x0, s16  }
0x33: {  	s17 =	simm.s32 $0x4;
	s18 =	sadd.s32 $0x40, s18;
	s14 =	sor.u32 $0x4000, s31;
	[tilespmem:s15+$0x1830 ss:$0x81] =	vst.msk $0xffff, v3  }
.LBB1_3:
0x34: {  	v3 =	vld [tilespmem:s18+$0x10];
	p1 =	sne.s32 s17, $0x1FC;
	[tilespmem:s15+$0x810 ss:$0x81] =	vst.msk $0xffff, v2;
	s19 =	smov.u32 s17;
	s17 =	sadd.s32 $0x4, s17  }
.Ltmp3:
0x35: {  	v2 =	vld [tilespmem:s18+$0xFFFFFFF0];
	[tilespmem:s15+$0x1020 ss:$0x81] =	vst.msk $0xffff, v0;
	(pc) =	sbr.rel @p1 .LBB1_3-.Ltmp3, $4  }
0x36: {  	v0 =	vld [tilespmem:s18+$0x0];
	[tilespmem:s15+$0x0 ss:$0x81] =	vst.msk $0xffff, v1  }
0x37: {  	s15 =	sshra.s32 s19, $0x2;
	v1 =	vld [tilespmem:s18+$0xFFFFFFE0]  }
0x38: {  	s15 =	sadd.s32 s15, s16  }
0x39: {  	s18 =	sadd.s32 $0x40, s18;
	[tilespmem:s15+$0x1830 ss:$0x81] =	vst.msk $0xffff, v3  }
.Ltmp4:
0x3a: {  	_ = 	snop;
	(pc) =	sbr.rel .LBB1_4-.Ltmp4, $1  }
0x3b: {  	_ =	sdelay $0x3  }
.LBB1_6:
0x3c: {  	_ =	sfence.sel $0x180000  }
0x3d: {  	s2 =	simm.s32 $0x1;
	[bflag:$0x0] =	sbarrier.arrive $0xFFFF  }
0x3e: {  	s31 =	simm.s32 $0x2;
	[sflag:s2] =	ssyncpa.u1 $0x1  }
0x3f: {  	[sflag:s31] =	ssyncpa.u1 $0x1  }
0x40: {  	p0 =	sne.s32 s0, $0x0;
	_ =	strace $0x9000004A  }
0x41: {  	s0 =	sadd.s32 @!p0 $0x100000, s1;
	[bflag:$0x2] =	sbarrier.arrive $0xFFFF  }
0x42: {  	[sflag:s0] =	ssyncadd.tile.s32 @!p0 $0x1;
	_ =	shalt  }
.Lfunc_end1:
_tile_overlayer_lowered:
.L_overlay_start_2:
0x43: {  	(tag) =	ssettag $0x2  }
0x44: {  	s0 =	rddreg [dreg:$0x0];
	s2 =	stileid.u32  }
0x45: {  	s1 =	rddreg [dreg:$0x1];
	p0 =	sne.s32 s2, $0x0  }
0x46: {  	s3 =	rddreg [dreg:$0x2];
	[bflag:$0x3] =	sbarrier.arrive $0xFFFF;
	s2 =	simm.s32 @!p0 $0x1C01  }
0x47: {  	[timem:s3], [sflag:s2] =	dma.local @!p0 [hbm:s0], s1  }
0x48: {  	s0 =	simm.s32 @!p0 $0x1  }
0x49: {  	_ =	swait.ge @!p0 [sflag:s0], s1  }
0x4a: {  	s1 =	ssub.s32 @!p0 $0x0, s1;
	[sflag:s0] =	ssyncset.done @!p0 $0x0  }
0x4b: {  	[sflag:s0] =	ssyncadd.s32 @!p0 s1  }
0x4c: {  	[bflag:$0x3] =	sbarrier.arrive $0xFFFF  }
0x4d: {  	_ =	shalt  }

</sc_bundles>
